<compile_context>
chip_gen: v7x
topology: tpu7x:2x2x1
jax: 0.10.2.dev20260603
libtpu: 0.0.44.dev20260713+nightly
codegen_flags: <defaults>
</compile_context>

<pallas_src>
import functools

import jax
import jax.numpy as jnp
import numpy as np
from jax.experimental import pallas as pl
from jax.experimental.pallas import tpu as pltpu
from jax.experimental.pallas import tpu_sc as plsc

P = 16384
H = 128
W = 128
TILE = 16
NTILES = 64
GB = 256
CH = 128
NBMAX = NTILES * (P // GB)

_TAN_FOVX = 0.5
_TAN_FOVY = 0.5
_VIEWMATRIX = np.eye(4, dtype=np.float32)
_PROJMATRIX = np.array([[1.0 / _TAN_FOVX, 0.0, 0.0, 0.0],
                        [0.0, 1.0 / _TAN_FOVY, 0.0, 0.0],
                        [0.0, 0.0, 1.00010001, 1.0],
                        [0.0, 0.0, -0.010001, 0.0]], dtype=np.float32)
_SH_C0 = 0.28209479177387814
_SH_C1 = 0.4886025119029199
_SH_C2 = (1.0925484305920792, -1.0925484305920792, 0.31539156525252005,
          -1.0925484305920792, 0.5462742152960396)
_SH_C3 = (-0.5900435899266435, 2.890611442640554, -0.4570457994644658,
          0.3731763325901154, -0.4570457994644658, 1.445305721320277,
          -0.5900435899266435)

_SL = np.tril(np.ones((GB, GB), dtype=np.float32), k=-1)


def _quat_to_rot(q):
    q = q / (jnp.linalg.norm(q, axis=-1, keepdims=True) + 1e-8)
    r, x, y, z = q[:, 0], q[:, 1], q[:, 2], q[:, 3]
    R = jnp.stack([
        1 - 2 * (y * y + z * z), 2 * (x * y - r * z), 2 * (x * z + r * y),
        2 * (x * y + r * z), 1 - 2 * (x * x + z * z), 2 * (y * z - r * x),
        2 * (x * z - r * y), 2 * (y * z + r * x), 1 - 2 * (x * x + y * y)
    ], axis=-1).reshape(-1, 3, 3)
    return R


def _eval_sh(sh, dirs):
    x, y, z = dirs[:, 0:1], dirs[:, 1:2], dirs[:, 2:3]
    res = _SH_C0 * sh[:, 0]
    res = res - _SH_C1 * y * sh[:, 1] + _SH_C1 * z * sh[:, 2] - _SH_C1 * x * sh[:, 3]
    xx, yy, zz, xy, yz, xz = x * x, y * y, z * z, x * y, y * z, x * z
    res = (res + _SH_C2[0] * xy * sh[:, 4] + _SH_C2[1] * yz * sh[:, 5]
           + _SH_C2[2] * (2.0 * zz - xx - yy) * sh[:, 6]
           + _SH_C2[3] * xz * sh[:, 7] + _SH_C2[4] * (xx - yy) * sh[:, 8])
    res = (res + _SH_C3[0] * y * (3.0 * xx - yy) * sh[:, 9]
           + _SH_C3[1] * xy * z * sh[:, 10]
           + _SH_C3[2] * y * (4.0 * zz - xx - yy) * sh[:, 11]
           + _SH_C3[3] * z * (2.0 * zz - 3.0 * xx - 3.0 * yy) * sh[:, 12]
           + _SH_C3[4] * x * (4.0 * zz - xx - yy) * sh[:, 13]
           + _SH_C3[5] * z * (xx - yy) * sh[:, 14]
           + _SH_C3[6] * x * (xx - 3.0 * yy) * sh[:, 15])
    return jnp.maximum(res + 0.5, 0.0)


def _geom(means3D, sh, opacities, scales, rotations):
    n = means3D.shape[0]
    viewmatrix = jnp.asarray(_VIEWMATRIX)
    projmatrix = jnp.asarray(_PROJMATRIX)
    hom = jnp.concatenate([means3D, jnp.ones((n, 1), dtype=means3D.dtype)], axis=1)
    p_view = hom @ viewmatrix
    tz = p_view[:, 2]
    in_front = tz > 0.2
    tz_safe = jnp.where(in_front, tz, 1.0)
    p_hom = hom @ projmatrix
    p_w = 1.0 / (p_hom[:, 3] + 1e-7)
    p_proj = p_hom[:, :3] * p_w[:, None]
    R = _quat_to_rot(rotations)
    Mm = R * scales[:, None, :]
    cov3d = Mm @ jnp.swapaxes(Mm, 1, 2)
    focal_x = W / (2.0 * _TAN_FOVX)
    focal_y = H / (2.0 * _TAN_FOVY)
    limx = 1.3 * _TAN_FOVX
    limy = 1.3 * _TAN_FOVY
    txtz = jnp.clip(p_view[:, 0] / tz_safe, -limx, limx)
    tytz = jnp.clip(p_view[:, 1] / tz_safe, -limy, limy)
    tx = txtz * tz_safe
    ty = tytz * tz_safe
    zeros = jnp.zeros_like(tz)
    J = jnp.stack([
        jnp.stack([focal_x / tz_safe, zeros, -(focal_x * tx) / (tz_safe * tz_safe)], axis=-1),
        jnp.stack([zeros, focal_y / tz_safe, -(focal_y * ty) / (tz_safe * tz_safe)], axis=-1)
    ], axis=1)
    A = viewmatrix[:3, :3].T
    Tm = J @ A
    cov2d = Tm @ cov3d @ jnp.swapaxes(Tm, 1, 2)
    cxx = cov2d[:, 0, 0] + 0.3
    cyy = cov2d[:, 1, 1] + 0.3
    cxy = cov2d[:, 0, 1]
    det = cxx * cyy - cxy * cxy
    valid = in_front & (det > 0.0)
    det_safe = jnp.where(det != 0.0, det, 1.0)
    conic = jnp.stack([cyy / det_safe, -cxy / det_safe, cxx / det_safe], axis=-1)
    mid = 0.5 * (cxx + cyy)
    lam1 = mid + jnp.sqrt(jnp.maximum(0.1, mid * mid - det))
    radius = jnp.ceil(3.0 * jnp.sqrt(jnp.maximum(lam1, 1e-8)))
    point_image = jnp.stack([((p_proj[:, 0] + 1.0) * W - 1.0) * 0.5,
                             ((p_proj[:, 1] + 1.0) * H - 1.0) * 0.5], axis=-1)
    tiles_x = (W + TILE - 1) // TILE
    tiles_y = (H + TILE - 1) // TILE
    rmin = jnp.stack([jnp.clip(jnp.floor((point_image[:, 0] - radius) / TILE), 0, tiles_x),
                      jnp.clip(jnp.floor((point_image[:, 1] - radius) / TILE), 0, tiles_y)], axis=-1)
    rmax = jnp.stack([jnp.clip(jnp.floor((point_image[:, 0] + radius + TILE - 1) / TILE), 0, tiles_x),
                      jnp.clip(jnp.floor((point_image[:, 1] + radius + TILE - 1) / TILE), 0, tiles_y)], axis=-1)
    tile_area = (rmax[:, 0] - rmin[:, 0]) * (rmax[:, 1] - rmin[:, 1])
    valid = valid & (tile_area > 0.0)
    radii = jnp.where(valid, radius, 0.0)
    dirs = means3D / (jnp.linalg.norm(means3D, axis=-1, keepdims=True) + 1e-8)
    rgb = _eval_sh(sh, dirs)
    return tz, point_image, rgb, conic, opacities, rmin, rmax, radii


def _sc_gather_kernel(lists_hbm, sap_hbm, nch_hbm, ag_hbm,
                      idx_v, nch_v, rows_v, sem):
    info = plsc.get_sparse_core_info()
    tiles_per_w = NTILES // (info.num_cores * info.num_subcores)
    wid = jax.lax.axis_index("s") * info.num_cores + jax.lax.axis_index("c")

    for rep in range(tiles_per_w):
        t = wid * tiles_per_w + rep
        pltpu.sync_copy(nch_hbm.at[t], nch_v)
        n = nch_v[pl.ds(0, 16)][0]

        @pl.loop(0, n)
        def _(b):
            off = b * CH
            pltpu.sync_copy(lists_hbm.at[t].at[pl.ds(off, CH)], idx_v)
            pltpu.async_copy(sap_hbm.at[idx_v], rows_v, sem).wait()
            pltpu.sync_copy(rows_v, ag_hbm.at[t].at[pl.ds(off, CH), :])


def _sc_build(lists, sap, nch):
    mesh = plsc.VectorSubcoreMesh(core_axis_name="c", subcore_axis_name="s")
    fn = functools.partial(
        pl.kernel,
        mesh=mesh,
        compiler_params=pltpu.CompilerParams(use_tc_tiling_on_sc=False, skip_device_barrier=True),
        out_type=jax.ShapeDtypeStruct((NTILES, P, 16), jnp.float32),
        scratch_types=[
            pltpu.VMEM((CH,), jnp.int32),
            pltpu.VMEM((16,), jnp.int32),
            pltpu.VMEM((CH, 16), jnp.float32),
            pltpu.SemaphoreType.DMA,
        ],
    )(_sc_gather_kernel)
    return fn(lists, sap, nch)


def _render_kernel(tile_ref, off_ref, ag_ref, sl_ref, c_ref, t_scr):
    k = pl.program_id(0)
    tile = tile_ref[k]
    off = off_ref[k]
    a = ag_ref[0]
    gx = a[:, 0:1]
    gy = a[:, 1:2]
    con_a = a[:, 5:6]
    con_b = a[:, 6:7]
    con_c = a[:, 7:8]
    opac = a[:, 8:9]

    tx0 = (tile % 8) * TILE
    ty0 = (tile // 8) * TILE
    q = jax.lax.broadcasted_iota(jnp.int32, (1, TILE * TILE), 1)
    xs = (tx0 + jax.lax.rem(q, TILE)).astype(jnp.float32)
    ys = (ty0 + jax.lax.div(q, TILE)).astype(jnp.float32)

    @pl.when(off == 0)
    def _():
        t_scr[...] = jnp.ones((1, TILE * TILE), jnp.float32)

    tcur = t_scr[...]
    dx = xs - gx
    dy = ys - gy
    power = -0.5 * (con_a * dx * dx + con_c * dy * dy) - con_b * dx * dy
    alpha = jnp.minimum(0.99, opac * jnp.exp(jnp.minimum(power, 0.0)))
    ok = (power <= 0.0) & (alpha >= 1.0 / 255.0)
    alpha = jnp.where(ok, alpha, 0.0)
    logs = jnp.log1p(-alpha)
    excl = jnp.exp(jax.lax.dot_general(
        sl_ref[...], logs, (((1,), (0,)), ((), ())),
        preferred_element_type=jnp.float32,
        precision=jax.lax.Precision.HIGHEST))
    wgt = alpha * excl * tcur
    colm = a[:, 2:5]
    contrib = jax.lax.dot_general(
        colm, wgt, (((0,), (0,)), ((), ())),
        preferred_element_type=jnp.float32,
        precision=jax.lax.Precision.HIGHEST)

    @pl.when(off == 0)
    def _():
        c_ref[0] = contrib

    @pl.when(off > 0)
    def _():
        c_ref[0] = c_ref[0] + contrib

    t_scr[...] = tcur * jnp.exp(jnp.sum(logs, axis=0, keepdims=True))


def _run_pipeline(means3D, sh, colors_precomp, opacities, scales, rotations,
                  cov3Ds_precomp, interpret=False):
    depths, point_image, rgb, conic, opac, rmin, rmax, radii = _geom(
        means3D, sh, opacities, scales, rotations)

    order = jnp.argsort(depths)
    attrs = jnp.concatenate([
        point_image, rgb, conic, opac, radii[:, None],
        rmin, rmax, depths[:, None], jnp.zeros((P, 1), jnp.float32),
    ], axis=1)
    sa = jnp.take(attrs, order, axis=0)

    live = sa[:, 9] > 0.0
    bx0 = sa[:, 10].astype(jnp.int32)
    by0 = sa[:, 11].astype(jnp.int32)
    bx1 = jnp.where(live, sa[:, 12].astype(jnp.int32), bx0)
    by1 = jnp.where(live, sa[:, 13].astype(jnp.int32), by0)

    txv = jnp.arange(NTILES, dtype=jnp.int32) % 8
    tyv = jnp.arange(NTILES, dtype=jnp.int32) // 8
    cover = ((bx0[None, :] <= txv[:, None]) & (txv[:, None] < bx1[None, :])
             & (by0[None, :] <= tyv[:, None]) & (tyv[:, None] < by1[None, :]))
    cnt = jnp.sum(cover.astype(jnp.int32), axis=1)
    keys = jnp.arange(P, dtype=jnp.int32)[None, :] + jnp.where(cover, 0, P)
    lists = jnp.minimum(jnp.sort(keys, axis=1), P)

    sap = jnp.concatenate([sa, jnp.zeros((1, 16), jnp.float32)], axis=0)
    nch_scalar = jnp.maximum((cnt + GB - 1) // GB, 1) * (GB // CH)
    nch = jnp.broadcast_to(nch_scalar[:, None], (NTILES, 16)).astype(jnp.int32)
    ag = _sc_build(lists, sap, nch)

    nb = jnp.maximum(1, (cnt + GB - 1) // GB)
    num_items = jnp.sum(nb)
    starts = jnp.cumsum(nb) - nb
    item_tile = jnp.repeat(jnp.arange(NTILES, dtype=jnp.int32), nb,
                           total_repeat_length=NBMAX)
    item_off = jnp.arange(NBMAX, dtype=jnp.int32) - starts[item_tile]

    sl = jnp.asarray(_SL)
    grid_spec = pltpu.PrefetchScalarGridSpec(
        num_scalar_prefetch=2,
        grid=(num_items,),
        in_specs=[
            pl.BlockSpec((1, GB, 16), lambda k, tref, oref: (tref[k], oref[k], 0)),
            pl.BlockSpec((GB, GB), lambda k, tref, oref: (0, 0)),
        ],
        out_specs=pl.BlockSpec((1, 3, TILE * TILE),
                               lambda k, tref, oref: (tref[k], 0, 0)),
        scratch_shapes=[pltpu.VMEM((1, TILE * TILE), jnp.float32)],
    )
    color_tiles = pl.pallas_call(
        _render_kernel,
        grid_spec=grid_spec,
        out_shape=jax.ShapeDtypeStruct((NTILES, 3, TILE * TILE), jnp.float32),
        interpret=interpret,
    )(item_tile, item_off, ag, sl)

    color = (color_tiles.reshape(8, 8, 3, TILE, TILE)
             .transpose(2, 0, 3, 1, 4).reshape(3, H, W))
    return (color, radii.astype(jnp.int32), radii > 0.0, point_image)


def kernel(means3D, sh, colors_precomp, opacities, scales, rotations,
           cov3Ds_precomp):
    return _run_pipeline(means3D, sh, colors_precomp, opacities, scales,
                         rotations, cov3Ds_precomp, interpret=False)

# --- scband reference (transcript-rebuilt; emitter-appended) ---
"""Pipeline reference for scband-rasterize-gaussians-4234837754027 (READ-ONLY COPY).

The authoritative reference and input builder live on the scoring server;
editing this copy changes nothing except your own understanding.
"""

import jax, jax.numpy as jnp
import numpy as np

P = 16384
H = 128
W = 128
TILE = 16
TAN_FOVX = 0.5
TAN_FOVY = 0.5
SCALE_MODIFIER = 1.0
CHUNK = 256
BG = jnp.array([0.0, 0.0, 0.0], dtype=jnp.float32)
VIEWMATRIX = jnp.eye(4, dtype=jnp.float32)
PROJMATRIX = jnp.array([[1.0 / TAN_FOVX, 0.0, 0.0, 0.0], [0.0, 1.0 / TAN_FOVY, 0.0, 0.0], [0.0, 0.0, 1.00010001, 1.0], [0.0, 0.0, -0.010001, 0.0]], dtype=jnp.float32)
CAMPOS = jnp.zeros((3,), dtype=jnp.float32)
SH_C0 = 0.28209479177387814
SH_C1 = 0.4886025119029199
SH_C2 = (1.0925484305920792, -1.0925484305920792, 0.31539156525252005, -1.0925484305920792, 0.5462742152960396)
SH_C3 = (-0.5900435899266435, 2.890611442640554, -0.4570457994644658, 0.3731763325901154, -0.4570457994644658, 1.445305721320277, -0.5900435899266435)


def setup_inputs(seed: int = 0):
    key = jax.random.key(seed)
    k1, k2, k3, k4, k5 = jax.random.split(key, 5)
    means3D = jax.random.normal(k1, (P, 3), dtype=jnp.float32) + jnp.array([0.0, 0.0, 4.0], dtype=jnp.float32)
    sh = jax.random.normal(k2, (P, 16, 3), dtype=jnp.float32) * 0.3
    colors_precomp = jnp.zeros((0, 3), dtype=jnp.float32)
    opacities = jax.random.uniform(k3, (P, 1), dtype=jnp.float32)
    scales = jax.random.uniform(k4, (P, 3), dtype=jnp.float32) * 0.05 + 0.005
    rotations = jax.random.normal(k5, (P, 4), dtype=jnp.float32)
    cov3Ds_precomp = jnp.zeros((0, 6), dtype=jnp.float32)
    return {'means3D': means3D, 'sh': sh, 'colors_precomp': colors_precomp, 'opacities': opacities, 'scales': scales, 'rotations': rotations, 'cov3Ds_precomp': cov3Ds_precomp}


def quat_to_rot(q):
    q = q / (jnp.linalg.norm(q, axis=-1, keepdims=True) + 1e-8)
    r, x, y, z = q[:, 0], q[:, 1], q[:, 2], q[:, 3]
    R = jnp.stack([
        1 - 2 * (y * y + z * z), 2 * (x * y - r * z), 2 * (x * z + r * y),
        2 * (x * y + r * z), 1 - 2 * (x * x + z * z), 2 * (y * z - r * x),
        2 * (x * z - r * y), 2 * (y * z + r * x), 1 - 2 * (x * x + y * y)
    ], axis=-1).reshape(-1, 3, 3)
    return R


def eval_sh(sh, dirs):
    x, y, z = dirs[:, 0:1], dirs[:, 1:2], dirs[:, 2:3]
    res = SH_C0 * sh[:, 0]
    res = res - SH_C1 * y * sh[:, 1] + SH_C1 * z * sh[:, 2] - SH_C1 * x * sh[:, 3]
    xx, yy, zz, xy, yz, xz = x * x, y * y, z * z, x * y, y * z, x * z
    res = res + SH_C2[0] * xy * sh[:, 4] + SH_C2[1] * yz * sh[:, 5] + SH_C2[2] * (2.0 * zz - xx - yy) * sh[:, 6] + SH_C2[3] * xz * sh[:, 7] + SH_C2[4] * (xx - yy) * sh[:, 8]
    res = res + SH_C3[0] * y * (3.0 * xx - yy) * sh[:, 9] + SH_C3[1] * xy * z * sh[:, 10] + SH_C3[2] * y * (4.0 * zz - xx - yy) * sh[:, 11] + SH_C3[3] * z * (2.0 * zz - 3.0 * xx - 3.0 * yy) * sh[:, 12] + SH_C3[4] * x * (4.0 * zz - xx - yy) * sh[:, 13] + SH_C3[5] * z * (xx - yy) * sh[:, 14] + SH_C3[6] * x * (xx - 3.0 * yy) * sh[:, 15]
    return jnp.maximum(res + 0.5, 0.0)


def preprocess(means3D, sh, colors_precomp, opacities, scales, rotations, cov3Ds_precomp):
    n = means3D.shape[0]
    hom = jnp.concatenate([means3D, jnp.ones((n, 1), dtype=means3D.dtype)], axis=1)
    p_view = hom @ VIEWMATRIX
    tz = p_view[:, 2]
    in_front = tz > 0.2
    tz_safe = jnp.where(in_front, tz, 1.0)
    p_hom = hom @ PROJMATRIX
    p_w = 1.0 / (p_hom[:, 3] + 1e-7)
    p_proj = p_hom[:, :3] * p_w[:, None]
    if cov3Ds_precomp.shape[0] > 0:
        c = cov3Ds_precomp
        cov3d = jnp.stack([c[:, 0], c[:, 1], c[:, 2], c[:, 1], c[:, 3], c[:, 4], c[:, 2], c[:, 4], c[:, 5]], axis=-1).reshape(-1, 3, 3)
    else:
        R = quat_to_rot(rotations)
        Mm = R * (scales * SCALE_MODIFIER)[:, None, :]
        cov3d = Mm @ jnp.swapaxes(Mm, 1, 2)
    focal_x = W / (2.0 * TAN_FOVX)
    focal_y = H / (2.0 * TAN_FOVY)
    limx = 1.3 * TAN_FOVX
    limy = 1.3 * TAN_FOVY
    txtz = jnp.clip(p_view[:, 0] / tz_safe, -limx, limx)
    tytz = jnp.clip(p_view[:, 1] / tz_safe, -limy, limy)
    tx = txtz * tz_safe
    ty = tytz * tz_safe
    zeros = jnp.zeros_like(tz)
    J = jnp.stack([
        jnp.stack([focal_x / tz_safe, zeros, -(focal_x * tx) / (tz_safe * tz_safe)], axis=-1),
        jnp.stack([zeros, focal_y / tz_safe, -(focal_y * ty) / (tz_safe * tz_safe)], axis=-1)
    ], axis=1)
    A = VIEWMATRIX[:3, :3].T
    Tm = J @ A
    cov2d = Tm @ cov3d @ jnp.swapaxes(Tm, 1, 2)
    cxx = cov2d[:, 0, 0] + 0.3
    cyy = cov2d[:, 1, 1] + 0.3
    cxy = cov2d[:, 0, 1]
    det = cxx * cyy - cxy * cxy
    valid = in_front & (det > 0.0)
    det_safe = jnp.where(det != 0.0, det, 1.0)
    conic = jnp.stack([cyy / det_safe, -cxy / det_safe, cxx / det_safe], axis=-1)
    mid = 0.5 * (cxx + cyy)
    lam1 = mid + jnp.sqrt(jnp.maximum(0.1, mid * mid - det))
    radius = jnp.ceil(3.0 * jnp.sqrt(jnp.maximum(lam1, 1e-8)))
    point_image = jnp.stack([((p_proj[:, 0] + 1.0) * W - 1.0) * 0.5, ((p_proj[:, 1] + 1.0) * H - 1.0) * 0.5], axis=-1)
    tiles_x = (W + TILE - 1) // TILE
    tiles_y = (H + TILE - 1) // TILE
    rmin = jnp.stack([jnp.clip(jnp.floor((point_image[:, 0] - radius) / TILE), 0, tiles_x), jnp.clip(jnp.floor((point_image[:, 1] - radius) / TILE), 0, tiles_y)], axis=-1)
    rmax = jnp.stack([jnp.clip(jnp.floor((point_image[:, 0] + radius + TILE - 1) / TILE), 0, tiles_x), jnp.clip(jnp.floor((point_image[:, 1] + radius + TILE - 1) / TILE), 0, tiles_y)], axis=-1)
    tile_area = (rmax[:, 0] - rmin[:, 0]) * (rmax[:, 1] - rmin[:, 1])
    valid = valid & (tile_area > 0.0)
    radii = jnp.where(valid, radius, 0.0)
    if colors_precomp.shape[0] > 0:
        rgb = colors_precomp
    else:
        dirs = means3D - CAMPOS[None, :]
        dirs = dirs / (jnp.linalg.norm(dirs, axis=-1, keepdims=True) + 1e-8)
        rgb = eval_sh(sh, dirs)
    conic_opacity = jnp.concatenate([conic, opacities], axis=-1)
    return tz, point_image, rgb, conic_opacity, rmin, rmax, radii


def render(points_xy, rgb, conic_opacity, radii, rmin, rmax):
    yy, xx = jnp.meshgrid(jnp.arange(H, dtype=jnp.float32), jnp.arange(W, dtype=jnp.float32), indexing='ij')
    xs = xx.reshape(-1)
    ys = yy.reshape(-1)
    tpx = jnp.floor(xs / TILE)
    tpy = jnp.floor(ys / TILE)
    n_chunks = points_xy.shape[0] // CHUNK
    chunks = (
        points_xy.reshape(n_chunks, CHUNK, 2),
        rgb.reshape(n_chunks, CHUNK, 3),
        conic_opacity.reshape(n_chunks, CHUNK, 4),
        radii.reshape(n_chunks, CHUNK),
        rmin.reshape(n_chunks, CHUNK, 2),
        rmax.reshape(n_chunks, CHUNK, 2),
    )

    def body(carry, chunk):
        Tcur, Ccur = carry
        xy, col, con, rad, rmn, rmx = chunk
        dx = xs[None, :] - xy[:, 0:1]
        dy = ys[None, :] - xy[:, 1:2]
        power = -0.5 * (con[:, 0:1] * dx * dx + con[:, 2:3] * dy * dy) - con[:, 1:2] * dx * dy
        alpha = jnp.minimum(0.99, con[:, 3:4] * jnp.exp(jnp.minimum(power, 0.0)))
        inside = (tpx[None, :] >= rmn[:, 0:1]) & (tpx[None, :] < rmx[:, 0:1]) & (tpy[None, :] >= rmn[:, 1:2]) & (tpy[None, :] < rmx[:, 1:2])
        ok = inside & (power <= 0.0) & (alpha >= 1.0 / 255.0) & (rad[:, None] > 0.0)
        alpha = jnp.where(ok, alpha, 0.0)
        one_m = 1.0 - alpha
        cum = jnp.cumprod(one_m, axis=0)
        excl = jnp.concatenate([jnp.ones((1, xs.shape[0]), dtype=alpha.dtype), cum[:-1]], axis=0)
        wgt = alpha * (Tcur[None, :] * excl)
        Cnew = Ccur + wgt.T @ col
        Tnew = Tcur * cum[-1]
        return (Tnew, Cnew), None

    T0 = jnp.ones((H * W,), dtype=jnp.float32)
    C0 = jnp.zeros((H * W, 3), dtype=jnp.float32)
    (Tf, Cf), _ = jax.lax.scan(jax.checkpoint(body), (T0, C0), chunks)
    img = Cf + Tf[:, None] * BG[None, :]
    return img.reshape(H, W, 3).transpose(2, 0, 1)


def reference(means3D, sh, colors_precomp, opacities, scales, rotations, cov3Ds_precomp):
    depths, point_image, rgb, conic_opacity, rmin, rmax, radii = preprocess(means3D, sh, colors_precomp, opacities, scales, rotations, cov3Ds_precomp)
    order = jnp.argsort(depths)
    color = render(point_image[order], rgb[order], conic_opacity[order], radii[order], rmin[order], rmax[order])
    visibility_filter = radii > 0.0
    return (color, radii.astype(jnp.int32), visibility_filter, point_image)

if __name__ == "__main__":
    import jax
    _d = setup_inputs()
    print(jax.jit(kernel)(*tuple(_d.values())))

</pallas_src>

<mosaic_0001>
#map = affine_map<(d0, d1) -> (0, 0)>
#map1 = affine_map<(d0, d1) -> (0, 0, 0)>
module attributes {stable_mosaic.version = 14 : i64} {
  func.func @_sc_gather_kernel(%arg0: i32, %arg1: i32, %arg2: memref<64x16384xi32, #tpu.memory_space<hbm>>, %arg3: memref<16385x16xf32, #tpu.memory_space<hbm>>, %arg4: memref<64x16xi32, #tpu.memory_space<hbm>>, %arg5: memref<64x16384x16xf32, #tpu.memory_space<hbm>>, %arg6: memref<128xi32, #tpu.memory_space<vmem>>, %arg7: memref<16xi32, #tpu.memory_space<vmem>>, %arg8: memref<128x16xf32, #tpu.memory_space<vmem>>, %arg9: memref<!tpu.dma_semaphore, #tpu.memory_space<semaphore_mem>>) attributes {dimension_semantics = [#tpu.dimension_semantics<core_parallel>, #tpu.dimension_semantics<subcore_parallel>], iteration_bounds = array<i64: 2, 16>, scalar_prefetch = 0 : i64, scratch_operands = 4 : i64, tpu.core_type = #tpu.core_type<sc_vector_subcore>, window_params = [{transform_indices = #map}, {transform_indices = #map}, {transform_indices = #map}, {transform_indices = #map1}]} {
    %mul3A = arith.constant 2 : i32
    %mul3A_0 = arith.muli %arg1, %mul3A : i32
    %add3A = arith.addi %mul3A_0, %arg0 : i32
    %mul3A_1 = arith.constant 2 : i32
    %mul3A_2 = arith.muli %add3A, %mul3A_1 : i32
    %add3A_3 = arith.constant 0 : i32
    %add3A_4 = arith.addi %mul3A_2, %add3A_3 : i32
    "tpu.region"() ({
      %run_scoped3A = tpu.sem_alloc : memref<!tpu.dma_semaphore, #tpu.memory_space<semaphore_mem>>
      %dma_start3A = arith.constant 0 : i32
      %dma_start3A_51 = tpu.memref_slice %arg4[%add3A_4, %dma_start3A] : memref<64x16xi32, #tpu.memory_space<hbm>> -> memref<1x16xi32, #tpu.memory_space<hbm>>
      %dma_start3A_52 = tpu.memref_squeeze %dma_start3A_51 : memref<1x16xi32, #tpu.memory_space<hbm>> -> memref<16xi32, #tpu.memory_space<hbm>>
      %dma_start3A_53 = arith.constant 0 : i32
      %dma_start3A_54 = tpu.memref_slice %arg4[%add3A_4, %dma_start3A_53] : memref<64x16xi32, #tpu.memory_space<hbm>> -> memref<1x16xi32, #tpu.memory_space<hbm>>
      %dma_start3A_55 = tpu.memref_squeeze %dma_start3A_54 : memref<1x16xi32, #tpu.memory_space<hbm>> -> memref<16xi32, #tpu.memory_space<hbm>>
      tpu.enqueue_dma source(%dma_start3A_55 : memref<16xi32, #tpu.memory_space<hbm>>) target(%arg7 : memref<16xi32, #tpu.memory_space<vmem>>) target_semaphore(%run_scoped3A : memref<!tpu.dma_semaphore, #tpu.memory_space<semaphore_mem>>)
      %dma_wait3A = arith.constant 0 : i32
      %dma_wait3A_56 = tpu.memref_slice %arg4[%add3A_4, %dma_wait3A] : memref<64x16xi32, #tpu.memory_space<hbm>> -> memref<1x16xi32, #tpu.memory_space<hbm>>
      %dma_wait3A_57 = tpu.memref_squeeze %dma_wait3A_56 : memref<1x16xi32, #tpu.memory_space<hbm>> -> memref<16xi32, #tpu.memory_space<hbm>>
      %dma_wait3A_58 = arith.constant 0 : i32
      %dma_wait3A_59 = tpu.memref_slice %arg4[%add3A_4, %dma_wait3A_58] : memref<64x16xi32, #tpu.memory_space<hbm>> -> memref<1x16xi32, #tpu.memory_space<hbm>>
      %dma_wait3A_60 = tpu.memref_squeeze %dma_wait3A_59 : memref<1x16xi32, #tpu.memory_space<hbm>> -> memref<16xi32, #tpu.memory_space<hbm>>
      tpu.wait_dma2 semaphore(%run_scoped3A : memref<!tpu.dma_semaphore, #tpu.memory_space<semaphore_mem>>) src(%dma_wait3A_60 : memref<16xi32, #tpu.memory_space<hbm>>) dst(%arg7 : memref<16xi32, #tpu.memory_space<vmem>>)
      tpu.yield
    }) : () -> ()
    %get3A = arith.constant 0 : index
    %get3A_5 = tpu.vector_load %arg7[%get3A] {strides = array<i32>} : memref<16xi32, #tpu.memory_space<vmem>>, vector<16xi32>,
    %get3A_6 = vector.shape_cast %get3A_5 : vector<16xi32> to vector<16xi32>
    %slice3A = vector.extract_strided_slice %get3A_6 {offsets = [0], sizes = [1], strides = [1]} : vector<16xi32> to vector<1xi32>
    %squeeze3A = vector.extract %slice3A[0] : i32 from vector<1xi32>
    %sub3A = arith.constant 0 : i32
    %sub3A_7 = arith.subi %squeeze3A, %sub3A : i32
    %sub3A_8 = arith.constant 1 : i32
    %sub3A_9 = arith.constant 1 : i32
    %sub3A_10 = arith.subi %sub3A_8, %sub3A_9 : i32
    %add3A_11 = arith.addi %sub3A_7, %sub3A_10 : i32
    %div3A = arith.constant 1 : i32
    %div3A_12 = arith.divsi %add3A_11, %div3A : i32
    %while3A = arith.constant 1 : i32
    %while3A_13 = arith.constant 0 : i32
    %while3A_14 = arith.constant 0 : i32
    %while3A_15 = arith.subi %div3A_12, %while3A_14 : i32
    %while3A_16 = arith.addi %while3A_14, %while3A_15 : i32
    %while3A_17 = arith.constant 1 : i32
    %while3A_18 = arith.divsi %while3A_15, %while3A_17 : i32
    %while3A_19 = arith.muli %while3A_18, %while3A_17 : i32
    %while3A_20 = arith.addi %while3A_14, %while3A_19 : i32
    %while3A_21 = arith.constant 1 : i32
    scf.for %while3A_51 = %while3A_14 to %while3A_20 step %while3A_21  : i32 {
      %mul3A_52 = arith.muli %while3A_51, %while3A : i32
      %add3A_53 = arith.addi %while3A_13, %mul3A_52 : i32
      %mul3A_54 = arith.constant 128 : i32
      %mul3A_55 = arith.muli %add3A_53, %mul3A_54 : i32
      "tpu.region"() ({
        %run_scoped3A = tpu.sem_alloc : memref<!tpu.dma_semaphore, #tpu.memory_space<semaphore_mem>>
        %dma_start3A_60 = arith.constant 0 : i32
        %dma_start3A_61 = tpu.memref_slice %arg2[%add3A_4, %dma_start3A_60] : memref<64x16384xi32, #tpu.memory_space<hbm>> -> memref<1x16384xi32, #tpu.memory_space<hbm>>
        %dma_start3A_62 = tpu.memref_squeeze %dma_start3A_61 : memref<1x16384xi32, #tpu.memory_space<hbm>> -> memref<16384xi32, #tpu.memory_space<hbm>>
        %dma_start3A_63 = tpu.memref_slice %dma_start3A_62[%mul3A_55] : memref<16384xi32, #tpu.memory_space<hbm>> -> memref<128xi32, #tpu.memory_space<hbm>>
        %dma_start3A_64 = arith.constant 0 : i32
        %dma_start3A_65 = tpu.memref_slice %arg2[%add3A_4, %dma_start3A_64] : memref<64x16384xi32, #tpu.memory_space<hbm>> -> memref<1x16384xi32, #tpu.memory_space<hbm>>
        %dma_start3A_66 = tpu.memref_squeeze %dma_start3A_65 : memref<1x16384xi32, #tpu.memory_space<hbm>> -> memref<16384xi32, #tpu.memory_space<hbm>>
        %dma_start3A_67 = tpu.memref_slice %dma_start3A_66[%mul3A_55] : memref<16384xi32, #tpu.memory_space<hbm>> -> memref<128xi32, #tpu.memory_space<hbm>>
        tpu.enqueue_dma source(%dma_start3A_67 : memref<128xi32, #tpu.memory_space<hbm>>) target(%arg6 : memref<128xi32, #tpu.memory_space<vmem>>) target_semaphore(%run_scoped3A : memref<!tpu.dma_semaphore, #tpu.memory_space<semaphore_mem>>)
        %dma_wait3A_68 = arith.constant 0 : i32
        %dma_wait3A_69 = tpu.memref_slice %arg2[%add3A_4, %dma_wait3A_68] : memref<64x16384xi32, #tpu.memory_space<hbm>> -> memref<1x16384xi32, #tpu.memory_space<hbm>>
        %dma_wait3A_70 = tpu.memref_squeeze %dma_wait3A_69 : memref<1x16384xi32, #tpu.memory_space<hbm>> -> memref<16384xi32, #tpu.memory_space<hbm>>
        %dma_wait3A_71 = tpu.memref_slice %dma_wait3A_70[%mul3A_55] : memref<16384xi32, #tpu.memory_space<hbm>> -> memref<128xi32, #tpu.memory_space<hbm>>
        %dma_wait3A_72 = arith.constant 0 : i32
        %dma_wait3A_73 = tpu.memref_slice %arg2[%add3A_4, %dma_wait3A_72] : memref<64x16384xi32, #tpu.memory_space<hbm>> -> memref<1x16384xi32, #tpu.memory_space<hbm>>
        %dma_wait3A_74 = tpu.memref_squeeze %dma_wait3A_73 : memref<1x16384xi32, #tpu.memory_space<hbm>> -> memref<16384xi32, #tpu.memory_space<hbm>>
        %dma_wait3A_75 = tpu.memref_slice %dma_wait3A_74[%mul3A_55] : memref<16384xi32, #tpu.memory_space<hbm>> -> memref<128xi32, #tpu.memory_space<hbm>>
        tpu.wait_dma2 semaphore(%run_scoped3A : memref<!tpu.dma_semaphore, #tpu.memory_space<semaphore_mem>>) src(%dma_wait3A_75 : memref<128xi32, #tpu.memory_space<hbm>>) dst(%arg6 : memref<128xi32, #tpu.memory_space<vmem>>)
        tpu.yield
      }) : () -> ()
      %dma_start3A = arith.constant 0 : i32
      %dma_start3A_56 = arith.constant 0 : i32
      %dma_start3A_57 = tpu.memref_slice %arg3[%dma_start3A, %dma_start3A_56] : memref<16385x16xf32, #tpu.memory_space<hbm>> -> memref<16385x16xf32, #tpu.memory_space<hbm>>
      tpu.enqueue_indirect_dma source(%dma_start3A_57 : memref<16385x16xf32, #tpu.memory_space<hbm>>) target(%arg8 : memref<128x16xf32, #tpu.memory_space<vmem>>) offsets(%arg6 : memref<128xi32, #tpu.memory_space<vmem>>) semaphore(%arg9 : memref<!tpu.dma_semaphore, #tpu.memory_space<semaphore_mem>>)
      %dma_wait3A = arith.constant 0 : i32
      %dma_wait3A_58 = arith.constant 0 : i32
      %dma_wait3A_59 = tpu.memref_slice %arg3[%dma_wait3A, %dma_wait3A_58] : memref<16385x16xf32, #tpu.memory_space<hbm>> -> memref<16385x16xf32, #tpu.memory_space<hbm>>
      tpu.wait_indirect_dma semaphore(%arg9 : memref<!tpu.dma_semaphore, #tpu.memory_space<semaphore_mem>>) src(%dma_wait3A_59 : memref<16385x16xf32, #tpu.memory_space<hbm>>) dst(%arg8 : memref<128x16xf32, #tpu.memory_space<vmem>>)
      "tpu.region"() ({
        %run_scoped3A = tpu.sem_alloc : memref<!tpu.dma_semaphore, #tpu.memory_space<semaphore_mem>>
        %dma_start3A_60 = arith.constant 0 : i32
        %dma_start3A_61 = arith.constant 0 : i32
        %dma_start3A_62 = tpu.memref_slice %arg5[%add3A_4, %dma_start3A_60, %dma_start3A_61] : memref<64x16384x16xf32, #tpu.memory_space<hbm>> -> memref<1x16384x16xf32, #tpu.memory_space<hbm>>
        %dma_start3A_63 = tpu.memref_squeeze %dma_start3A_62 : memref<1x16384x16xf32, #tpu.memory_space<hbm>> -> memref<16384x16xf32, #tpu.memory_space<hbm>>
        %dma_start3A_64 = arith.constant 0 : i32
        %dma_start3A_65 = tpu.memref_slice %dma_start3A_63[%mul3A_55, %dma_start3A_64] : memref<16384x16xf32, #tpu.memory_space<hbm>> -> memref<128x16xf32, #tpu.memory_space<hbm>>
        %dma_start3A_66 = arith.constant 0 : i32
        %dma_start3A_67 = arith.constant 0 : i32
        %dma_start3A_68 = tpu.memref_slice %arg5[%add3A_4, %dma_start3A_66, %dma_start3A_67] : memref<64x16384x16xf32, #tpu.memory_space<hbm>> -> memref<1x16384x16xf32, #tpu.memory_space<hbm>>
        %dma_start3A_69 = tpu.memref_squeeze %dma_start3A_68 : memref<1x16384x16xf32, #tpu.memory_space<hbm>> -> memref<16384x16xf32, #tpu.memory_space<hbm>>
        %dma_start3A_70 = arith.constant 0 : i32
        %dma_start3A_71 = tpu.memref_slice %dma_start3A_69[%mul3A_55, %dma_start3A_70] : memref<16384x16xf32, #tpu.memory_space<hbm>> -> memref<128x16xf32, #tpu.memory_space<hbm>>
        tpu.enqueue_dma source(%arg8 : memref<128x16xf32, #tpu.memory_space<vmem>>) target(%dma_start3A_71 : memref<128x16xf32, #tpu.memory_space<hbm>>) target_semaphore(%run_scoped3A : memref<!tpu.dma_semaphore, #tpu.memory_space<semaphore_mem>>)
        %dma_wait3A_72 = arith.constant 0 : i32
        %dma_wait3A_73 = arith.constant 0 : i32
        %dma_wait3A_74 = tpu.memref_slice %arg5[%add3A_4, %dma_wait3A_72, %dma_wait3A_73] : memref<64x16384x16xf32, #tpu.memory_space<hbm>> -> memref<1x16384x16xf32, #tpu.memory_space<hbm>>
        %dma_wait3A_75 = tpu.memref_squeeze %dma_wait3A_74 : memref<1x16384x16xf32, #tpu.memory_space<hbm>> -> memref<16384x16xf32, #tpu.memory_space<hbm>>
        %dma_wait3A_76 = arith.constant 0 : i32
        %dma_wait3A_77 = tpu.memref_slice %dma_wait3A_75[%mul3A_55, %dma_wait3A_76] : memref<16384x16xf32, #tpu.memory_space<hbm>> -> memref<128x16xf32, #tpu.memory_space<hbm>>
        %dma_wait3A_78 = arith.constant 0 : i32
        %dma_wait3A_79 = arith.constant 0 : i32
        %dma_wait3A_80 = tpu.memref_slice %arg5[%add3A_4, %dma_wait3A_78, %dma_wait3A_79] : memref<64x16384x16xf32, #tpu.memory_space<hbm>> -> memref<1x16384x16xf32, #tpu.memory_space<hbm>>
        %dma_wait3A_81 = tpu.memref_squeeze %dma_wait3A_80 : memref<1x16384x16xf32, #tpu.memory_space<hbm>> -> memref<16384x16xf32, #tpu.memory_space<hbm>>
        %dma_wait3A_82 = arith.constant 0 : i32
        %dma_wait3A_83 = tpu.memref_slice %dma_wait3A_81[%mul3A_55, %dma_wait3A_82] : memref<16384x16xf32, #tpu.memory_space<hbm>> -> memref<128x16xf32, #tpu.memory_space<hbm>>
        tpu.wait_dma2 semaphore(%run_scoped3A : memref<!tpu.dma_semaphore, #tpu.memory_space<semaphore_mem>>) src(%arg8 : memref<128x16xf32, #tpu.memory_space<vmem>>) dst(%dma_wait3A_83 : memref<128x16xf32, #tpu.memory_space<hbm>>)
        tpu.yield
      }) : () -> ()
    }
    %while3A_22 = arith.constant 1 : i32
    scf.for %while3A_51 = %while3A_20 to %while3A_16 step %while3A_22  : i32 {
      %mul3A_52 = arith.muli %while3A_51, %while3A : i32
      %add3A_53 = arith.addi %while3A_13, %mul3A_52 : i32
      %mul3A_54 = arith.constant 128 : i32
      %mul3A_55 = arith.muli %add3A_53, %mul3A_54 : i32
      "tpu.region"() ({
        %run_scoped3A = tpu.sem_alloc : memref<!tpu.dma_semaphore, #tpu.memory_space<semaphore_mem>>
        %dma_start3A_60 = arith.constant 0 : i32
        %dma_start3A_61 = tpu.memref_slice %arg2[%add3A_4, %dma_start3A_60] : memref<64x16384xi32, #tpu.memory_space<hbm>> -> memref<1x16384xi32, #tpu.memory_space<hbm>>
        %dma_start3A_62 = tpu.memref_squeeze %dma_start3A_61 : memref<1x16384xi32, #tpu.memory_space<hbm>> -> memref<16384xi32, #tpu.memory_space<hbm>>
        %dma_start3A_63 = tpu.memref_slice %dma_start3A_62[%mul3A_55] : memref<16384xi32, #tpu.memory_space<hbm>> -> memref<128xi32, #tpu.memory_space<hbm>>
        %dma_start3A_64 = arith.constant 0 : i32
        %dma_start3A_65 = tpu.memref_slice %arg2[%add3A_4, %dma_start3A_64] : memref<64x16384xi32, #tpu.memory_space<hbm>> -> memref<1x16384xi32, #tpu.memory_space<hbm>>
        %dma_start3A_66 = tpu.memref_squeeze %dma_start3A_65 : memref<1x16384xi32, #tpu.memory_space<hbm>> -> memref<16384xi32, #tpu.memory_space<hbm>>
        %dma_start3A_67 = tpu.memref_slice %dma_start3A_66[%mul3A_55] : memref<16384xi32, #tpu.memory_space<hbm>> -> memref<128xi32, #tpu.memory_space<hbm>>
        tpu.enqueue_dma source(%dma_start3A_67 : memref<128xi32, #tpu.memory_space<hbm>>) target(%arg6 : memref<128xi32, #tpu.memory_space<vmem>>) target_semaphore(%run_scoped3A : memref<!tpu.dma_semaphore, #tpu.memory_space<semaphore_mem>>)
        %dma_wait3A_68 = arith.constant 0 : i32
        %dma_wait3A_69 = tpu.memref_slice %arg2[%add3A_4, %dma_wait3A_68] : memref<64x16384xi32, #tpu.memory_space<hbm>> -> memref<1x16384xi32, #tpu.memory_space<hbm>>
        %dma_wait3A_70 = tpu.memref_squeeze %dma_wait3A_69 : memref<1x16384xi32, #tpu.memory_space<hbm>> -> memref<16384xi32, #tpu.memory_space<hbm>>
        %dma_wait3A_71 = tpu.memref_slice %dma_wait3A_70[%mul3A_55] : memref<16384xi32, #tpu.memory_space<hbm>> -> memref<128xi32, #tpu.memory_space<hbm>>
        %dma_wait3A_72 = arith.constant 0 : i32
        %dma_wait3A_73 = tpu.memref_slice %arg2[%add3A_4, %dma_wait3A_72] : memref<64x16384xi32, #tpu.memory_space<hbm>> -> memref<1x16384xi32, #tpu.memory_space<hbm>>
        %dma_wait3A_74 = tpu.memref_squeeze %dma_wait3A_73 : memref<1x16384xi32, #tpu.memory_space<hbm>> -> memref<16384xi32, #tpu.memory_space<hbm>>
        %dma_wait3A_75 = tpu.memref_slice %dma_wait3A_74[%mul3A_55] : memref<16384xi32, #tpu.memory_space<hbm>> -> memref<128xi32, #tpu.memory_space<hbm>>
        tpu.wait_dma2 semaphore(%run_scoped3A : memref<!tpu.dma_semaphore, #tpu.memory_space<semaphore_mem>>) src(%dma_wait3A_75 : memref<128xi32, #tpu.memory_space<hbm>>) dst(%arg6 : memref<128xi32, #tpu.memory_space<vmem>>)
        tpu.yield
      }) : () -> ()
      %dma_start3A = arith.constant 0 : i32
      %dma_start3A_56 = arith.constant 0 : i32
      %dma_start3A_57 = tpu.memref_slice %arg3[%dma_start3A, %dma_start3A_56] : memref<16385x16xf32, #tpu.memory_space<hbm>> -> memref<16385x16xf32, #tpu.memory_space<hbm>>
      tpu.enqueue_indirect_dma source(%dma_start3A_57 : memref<16385x16xf32, #tpu.memory_space<hbm>>) target(%arg8 : memref<128x16xf32, #tpu.memory_space<vmem>>) offsets(%arg6 : memref<128xi32, #tpu.memory_space<vmem>>) semaphore(%arg9 : memref<!tpu.dma_semaphore, #tpu.memory_space<semaphore_mem>>)
      %dma_wait3A = arith.constant 0 : i32
      %dma_wait3A_58 = arith.constant 0 : i32
      %dma_wait3A_59 = tpu.memref_slice %arg3[%dma_wait3A, %dma_wait3A_58] : memref<16385x16xf32, #tpu.memory_space<hbm>> -> memref<16385x16xf32, #tpu.memory_space<hbm>>
      tpu.wait_indirect_dma semaphore(%arg9 : memref<!tpu.dma_semaphore, #tpu.memory_space<semaphore_mem>>) src(%dma_wait3A_59 : memref<16385x16xf32, #tpu.memory_space<hbm>>) dst(%arg8 : memref<128x16xf32, #tpu.memory_space<vmem>>)
      "tpu.region"() ({
        %run_scoped3A = tpu.sem_alloc : memref<!tpu.dma_semaphore, #tpu.memory_space<semaphore_mem>>
        %dma_start3A_60 = arith.constant 0 : i32
        %dma_start3A_61 = arith.constant 0 : i32
        %dma_start3A_62 = tpu.memref_slice %arg5[%add3A_4, %dma_start3A_60, %dma_start3A_61] : memref<64x16384x16xf32, #tpu.memory_space<hbm>> -> memref<1x16384x16xf32, #tpu.memory_space<hbm>>
        %dma_start3A_63 = tpu.memref_squeeze %dma_start3A_62 : memref<1x16384x16xf32, #tpu.memory_space<hbm>> -> memref<16384x16xf32, #tpu.memory_space<hbm>>
        %dma_start3A_64 = arith.constant 0 : i32
        %dma_start3A_65 = tpu.memref_slice %dma_start3A_63[%mul3A_55, %dma_start3A_64] : memref<16384x16xf32, #tpu.memory_space<hbm>> -> memref<128x16xf32, #tpu.memory_space<hbm>>
        %dma_start3A_66 = arith.constant 0 : i32
        %dma_start3A_67 = arith.constant 0 : i32
        %dma_start3A_68 = tpu.memref_slice %arg5[%add3A_4, %dma_start3A_66, %dma_start3A_67] : memref<64x16384x16xf32, #tpu.memory_space<hbm>> -> memref<1x16384x16xf32, #tpu.memory_space<hbm>>
        %dma_start3A_69 = tpu.memref_squeeze %dma_start3A_68 : memref<1x16384x16xf32, #tpu.memory_space<hbm>> -> memref<16384x16xf32, #tpu.memory_space<hbm>>
        %dma_start3A_70 = arith.constant 0 : i32
        %dma_start3A_71 = tpu.memref_slice %dma_start3A_69[%mul3A_55, %dma_start3A_70] : memref<16384x16xf32, #tpu.memory_space<hbm>> -> memref<128x16xf32, #tpu.memory_space<hbm>>
        tpu.enqueue_dma source(%arg8 : memref<128x16xf32, #tpu.memory_space<vmem>>) target(%dma_start3A_71 : memref<128x16xf32, #tpu.memory_space<hbm>>) target_semaphore(%run_scoped3A : memref<!tpu.dma_semaphore, #tpu.memory_space<semaphore_mem>>)
        %dma_wait3A_72 = arith.constant 0 : i32
        %dma_wait3A_73 = arith.constant 0 : i32
        %dma_wait3A_74 = tpu.memref_slice %arg5[%add3A_4, %dma_wait3A_72, %dma_wait3A_73] : memref<64x16384x16xf32, #tpu.memory_space<hbm>> -> memref<1x16384x16xf32, #tpu.memory_space<hbm>>
        %dma_wait3A_75 = tpu.memref_squeeze %dma_wait3A_74 : memref<1x16384x16xf32, #tpu.memory_space<hbm>> -> memref<16384x16xf32, #tpu.memory_space<hbm>>
        %dma_wait3A_76 = arith.constant 0 : i32
        %dma_wait3A_77 = tpu.memref_slice %dma_wait3A_75[%mul3A_55, %dma_wait3A_76] : memref<16384x16xf32, #tpu.memory_space<hbm>> -> memref<128x16xf32, #tpu.memory_space<hbm>>
        %dma_wait3A_78 = arith.constant 0 : i32
        %dma_wait3A_79 = arith.constant 0 : i32
        %dma_wait3A_80 = tpu.memref_slice %arg5[%add3A_4, %dma_wait3A_78, %dma_wait3A_79] : memref<64x16384x16xf32, #tpu.memory_space<hbm>> -> memref<1x16384x16xf32, #tpu.memory_space<hbm>>
        %dma_wait3A_81 = tpu.memref_squeeze %dma_wait3A_80 : memref<1x16384x16xf32, #tpu.memory_space<hbm>> -> memref<16384x16xf32, #tpu.memory_space<hbm>>
        %dma_wait3A_82 = arith.constant 0 : i32
        %dma_wait3A_83 = tpu.memref_slice %dma_wait3A_81[%mul3A_55, %dma_wait3A_82] : memref<16384x16xf32, #tpu.memory_space<hbm>> -> memref<128x16xf32, #tpu.memory_space<hbm>>
        tpu.wait_dma2 semaphore(%run_scoped3A : memref<!tpu.dma_semaphore, #tpu.memory_space<semaphore_mem>>) src(%arg8 : memref<128x16xf32, #tpu.memory_space<vmem>>) dst(%dma_wait3A_83 : memref<128x16xf32, #tpu.memory_space<hbm>>)
        tpu.yield
      }) : () -> ()
    }
    %mul3A_23 = arith.constant 2 : i32
    %mul3A_24 = arith.muli %add3A, %mul3A_23 : i32
    %add3A_25 = arith.constant 1 : i32
    %add3A_26 = arith.addi %mul3A_24, %add3A_25 : i32
    "tpu.region"() ({
      %run_scoped3A = tpu.sem_alloc : memref<!tpu.dma_semaphore, #tpu.memory_space<semaphore_mem>>
      %dma_start3A = arith.constant 0 : i32
      %dma_start3A_51 = tpu.memref_slice %arg4[%add3A_26, %dma_start3A] : memref<64x16xi32, #tpu.memory_space<hbm>> -> memref<1x16xi32, #tpu.memory_space<hbm>>
      %dma_start3A_52 = tpu.memref_squeeze %dma_start3A_51 : memref<1x16xi32, #tpu.memory_space<hbm>> -> memref<16xi32, #tpu.memory_space<hbm>>
      %dma_start3A_53 = arith.constant 0 : i32
      %dma_start3A_54 = tpu.memref_slice %arg4[%add3A_26, %dma_start3A_53] : memref<64x16xi32, #tpu.memory_space<hbm>> -> memref<1x16xi32, #tpu.memory_space<hbm>>
      %dma_start3A_55 = tpu.memref_squeeze %dma_start3A_54 : memref<1x16xi32, #tpu.memory_space<hbm>> -> memref<16xi32, #tpu.memory_space<hbm>>
      tpu.enqueue_dma source(%dma_start3A_55 : memref<16xi32, #tpu.memory_space<hbm>>) target(%arg7 : memref<16xi32, #tpu.memory_space<vmem>>) target_semaphore(%run_scoped3A : memref<!tpu.dma_semaphore, #tpu.memory_space<semaphore_mem>>)
      %dma_wait3A = arith.constant 0 : i32
      %dma_wait3A_56 = tpu.memref_slice %arg4[%add3A_26, %dma_wait3A] : memref<64x16xi32, #tpu.memory_space<hbm>> -> memref<1x16xi32, #tpu.memory_space<hbm>>
      %dma_wait3A_57 = tpu.memref_squeeze %dma_wait3A_56 : memref<1x16xi32, #tpu.memory_space<hbm>> -> memref<16xi32, #tpu.memory_space<hbm>>
      %dma_wait3A_58 = arith.constant 0 : i32
      %dma_wait3A_59 = tpu.memref_slice %arg4[%add3A_26, %dma_wait3A_58] : memref<64x16xi32, #tpu.memory_space<hbm>> -> memref<1x16xi32, #tpu.memory_space<hbm>>
      %dma_wait3A_60 = tpu.memref_squeeze %dma_wait3A_59 : memref<1x16xi32, #tpu.memory_space<hbm>> -> memref<16xi32, #tpu.memory_space<hbm>>
      tpu.wait_dma2 semaphore(%run_scoped3A : memref<!tpu.dma_semaphore, #tpu.memory_space<semaphore_mem>>) src(%dma_wait3A_60 : memref<16xi32, #tpu.memory_space<hbm>>) dst(%arg7 : memref<16xi32, #tpu.memory_space<vmem>>)
      tpu.yield
    }) : () -> ()
    %get3A_27 = arith.constant 0 : index
    %get3A_28 = tpu.vector_load %arg7[%get3A_27] {strides = array<i32>} : memref<16xi32, #tpu.memory_space<vmem>>, vector<16xi32>,
    %get3A_29 = vector.shape_cast %get3A_28 : vector<16xi32> to vector<16xi32>
    %slice3A_30 = vector.extract_strided_slice %get3A_29 {offsets = [0], sizes = [1], strides = [1]} : vector<16xi32> to vector<1xi32>
    %squeeze3A_31 = vector.extract %slice3A_30[0] : i32 from vector<1xi32>
    %sub3A_32 = arith.constant 0 : i32
    %sub3A_33 = arith.subi %squeeze3A_31, %sub3A_32 : i32
    %sub3A_34 = arith.constant 1 : i32
    %sub3A_35 = arith.constant 1 : i32
    %sub3A_36 = arith.subi %sub3A_34, %sub3A_35 : i32
    %add3A_37 = arith.addi %sub3A_33, %sub3A_36 : i32
    %div3A_38 = arith.constant 1 : i32
    %div3A_39 = arith.divsi %add3A_37, %div3A_38 : i32
    %while3A_40 = arith.constant 1 : i32
    %while3A_41 = arith.constant 0 : i32
    %while3A_42 = arith.constant 0 : i32
    %while3A_43 = arith.subi %div3A_39, %while3A_42 : i32
    %while3A_44 = arith.addi %while3A_42, %while3A_43 : i32
    %while3A_45 = arith.constant 1 : i32
    %while3A_46 = arith.divsi %while3A_43, %while3A_45 : i32
    %while3A_47 = arith.muli %while3A_46, %while3A_45 : i32
    %while3A_48 = arith.addi %while3A_42, %while3A_47 : i32
    %while3A_49 = arith.constant 1 : i32
    scf.for %while3A_51 = %while3A_42 to %while3A_48 step %while3A_49  : i32 {
      %mul3A_52 = arith.muli %while3A_51, %while3A_40 : i32
      %add3A_53 = arith.addi %while3A_41, %mul3A_52 : i32
      %mul3A_54 = arith.constant 128 : i32
      %mul3A_55 = arith.muli %add3A_53, %mul3A_54 : i32
      "tpu.region"() ({
        %run_scoped3A = tpu.sem_alloc : memref<!tpu.dma_semaphore, #tpu.memory_space<semaphore_mem>>
        %dma_start3A_60 = arith.constant 0 : i32
        %dma_start3A_61 = tpu.memref_slice %arg2[%add3A_26, %dma_start3A_60] : memref<64x16384xi32, #tpu.memory_space<hbm>> -> memref<1x16384xi32, #tpu.memory_space<hbm>>
        %dma_start3A_62 = tpu.memref_squeeze %dma_start3A_61 : memref<1x16384xi32, #tpu.memory_space<hbm>> -> memref<16384xi32, #tpu.memory_space<hbm>>
        %dma_start3A_63 = tpu.memref_slice %dma_start3A_62[%mul3A_55] : memref<16384xi32, #tpu.memory_space<hbm>> -> memref<128xi32, #tpu.memory_space<hbm>>
        %dma_start3A_64 = arith.constant 0 : i32
        %dma_start3A_65 = tpu.memref_slice %arg2[%add3A_26, %dma_start3A_64] : memref<64x16384xi32, #tpu.memory_space<hbm>> -> memref<1x16384xi32, #tpu.memory_space<hbm>>
        %dma_start3A_66 = tpu.memref_squeeze %dma_start3A_65 : memref<1x16384xi32, #tpu.memory_space<hbm>> -> memref<16384xi32, #tpu.memory_space<hbm>>
        %dma_start3A_67 = tpu.memref_slice %dma_start3A_66[%mul3A_55] : memref<16384xi32, #tpu.memory_space<hbm>> -> memref<128xi32, #tpu.memory_space<hbm>>
        tpu.enqueue_dma source(%dma_start3A_67 : memref<128xi32, #tpu.memory_space<hbm>>) target(%arg6 : memref<128xi32, #tpu.memory_space<vmem>>) target_semaphore(%run_scoped3A : memref<!tpu.dma_semaphore, #tpu.memory_space<semaphore_mem>>)
        %dma_wait3A_68 = arith.constant 0 : i32
        %dma_wait3A_69 = tpu.memref_slice %arg2[%add3A_26, %dma_wait3A_68] : memref<64x16384xi32, #tpu.memory_space<hbm>> -> memref<1x16384xi32, #tpu.memory_space<hbm>>
        %dma_wait3A_70 = tpu.memref_squeeze %dma_wait3A_69 : memref<1x16384xi32, #tpu.memory_space<hbm>> -> memref<16384xi32, #tpu.memory_space<hbm>>
        %dma_wait3A_71 = tpu.memref_slice %dma_wait3A_70[%mul3A_55] : memref<16384xi32, #tpu.memory_space<hbm>> -> memref<128xi32, #tpu.memory_space<hbm>>
        %dma_wait3A_72 = arith.constant 0 : i32
        %dma_wait3A_73 = tpu.memref_slice %arg2[%add3A_26, %dma_wait3A_72] : memref<64x16384xi32, #tpu.memory_space<hbm>> -> memref<1x16384xi32, #tpu.memory_space<hbm>>
        %dma_wait3A_74 = tpu.memref_squeeze %dma_wait3A_73 : memref<1x16384xi32, #tpu.memory_space<hbm>> -> memref<16384xi32, #tpu.memory_space<hbm>>
        %dma_wait3A_75 = tpu.memref_slice %dma_wait3A_74[%mul3A_55] : memref<16384xi32, #tpu.memory_space<hbm>> -> memref<128xi32, #tpu.memory_space<hbm>>
        tpu.wait_dma2 semaphore(%run_scoped3A : memref<!tpu.dma_semaphore, #tpu.memory_space<semaphore_mem>>) src(%dma_wait3A_75 : memref<128xi32, #tpu.memory_space<hbm>>) dst(%arg6 : memref<128xi32, #tpu.memory_space<vmem>>)
        tpu.yield
      }) : () -> ()
      %dma_start3A = arith.constant 0 : i32
      %dma_start3A_56 = arith.constant 0 : i32
      %dma_start3A_57 = tpu.memref_slice %arg3[%dma_start3A, %dma_start3A_56] : memref<16385x16xf32, #tpu.memory_space<hbm>> -> memref<16385x16xf32, #tpu.memory_space<hbm>>
      tpu.enqueue_indirect_dma source(%dma_start3A_57 : memref<16385x16xf32, #tpu.memory_space<hbm>>) target(%arg8 : memref<128x16xf32, #tpu.memory_space<vmem>>) offsets(%arg6 : memref<128xi32, #tpu.memory_space<vmem>>) semaphore(%arg9 : memref<!tpu.dma_semaphore, #tpu.memory_space<semaphore_mem>>)
      %dma_wait3A = arith.constant 0 : i32
      %dma_wait3A_58 = arith.constant 0 : i32
      %dma_wait3A_59 = tpu.memref_slice %arg3[%dma_wait3A, %dma_wait3A_58] : memref<16385x16xf32, #tpu.memory_space<hbm>> -> memref<16385x16xf32, #tpu.memory_space<hbm>>
      tpu.wait_indirect_dma semaphore(%arg9 : memref<!tpu.dma_semaphore, #tpu.memory_space<semaphore_mem>>) src(%dma_wait3A_59 : memref<16385x16xf32, #tpu.memory_space<hbm>>) dst(%arg8 : memref<128x16xf32, #tpu.memory_space<vmem>>)
      "tpu.region"() ({
        %run_scoped3A = tpu.sem_alloc : memref<!tpu.dma_semaphore, #tpu.memory_space<semaphore_mem>>
        %dma_start3A_60 = arith.constant 0 : i32
        %dma_start3A_61 = arith.constant 0 : i32
        %dma_start3A_62 = tpu.memref_slice %arg5[%add3A_26, %dma_start3A_60, %dma_start3A_61] : memref<64x16384x16xf32, #tpu.memory_space<hbm>> -> memref<1x16384x16xf32, #tpu.memory_space<hbm>>
        %dma_start3A_63 = tpu.memref_squeeze %dma_start3A_62 : memref<1x16384x16xf32, #tpu.memory_space<hbm>> -> memref<16384x16xf32, #tpu.memory_space<hbm>>
        %dma_start3A_64 = arith.constant 0 : i32
        %dma_start3A_65 = tpu.memref_slice %dma_start3A_63[%mul3A_55, %dma_start3A_64] : memref<16384x16xf32, #tpu.memory_space<hbm>> -> memref<128x16xf32, #tpu.memory_space<hbm>>
        %dma_start3A_66 = arith.constant 0 : i32
        %dma_start3A_67 = arith.constant 0 : i32
        %dma_start3A_68 = tpu.memref_slice %arg5[%add3A_26, %dma_start3A_66, %dma_start3A_67] : memref<64x16384x16xf32, #tpu.memory_space<hbm>> -> memref<1x16384x16xf32, #tpu.memory_space<hbm>>
        %dma_start3A_69 = tpu.memref_squeeze %dma_start3A_68 : memref<1x16384x16xf32, #tpu.memory_space<hbm>> -> memref<16384x16xf32, #tpu.memory_space<hbm>>
        %dma_start3A_70 = arith.constant 0 : i32
        %dma_start3A_71 = tpu.memref_slice %dma_start3A_69[%mul3A_55, %dma_start3A_70] : memref<16384x16xf32, #tpu.memory_space<hbm>> -> memref<128x16xf32, #tpu.memory_space<hbm>>
        tpu.enqueue_dma source(%arg8 : memref<128x16xf32, #tpu.memory_space<vmem>>) target(%dma_start3A_71 : memref<128x16xf32, #tpu.memory_space<hbm>>) target_semaphore(%run_scoped3A : memref<!tpu.dma_semaphore, #tpu.memory_space<semaphore_mem>>)
        %dma_wait3A_72 = arith.constant 0 : i32
        %dma_wait3A_73 = arith.constant 0 : i32
        %dma_wait3A_74 = tpu.memref_slice %arg5[%add3A_26, %dma_wait3A_72, %dma_wait3A_73] : memref<64x16384x16xf32, #tpu.memory_space<hbm>> -> memref<1x16384x16xf32, #tpu.memory_space<hbm>>
        %dma_wait3A_75 = tpu.memref_squeeze %dma_wait3A_74 : memref<1x16384x16xf32, #tpu.memory_space<hbm>> -> memref<16384x16xf32, #tpu.memory_space<hbm>>
        %dma_wait3A_76 = arith.constant 0 : i32
        %dma_wait3A_77 = tpu.memref_slice %dma_wait3A_75[%mul3A_55, %dma_wait3A_76] : memref<16384x16xf32, #tpu.memory_space<hbm>> -> memref<128x16xf32, #tpu.memory_space<hbm>>
        %dma_wait3A_78 = arith.constant 0 : i32
        %dma_wait3A_79 = arith.constant 0 : i32
        %dma_wait3A_80 = tpu.memref_slice %arg5[%add3A_26, %dma_wait3A_78, %dma_wait3A_79] : memref<64x16384x16xf32, #tpu.memory_space<hbm>> -> memref<1x16384x16xf32, #tpu.memory_space<hbm>>
        %dma_wait3A_81 = tpu.memref_squeeze %dma_wait3A_80 : memref<1x16384x16xf32, #tpu.memory_space<hbm>> -> memref<16384x16xf32, #tpu.memory_space<hbm>>
        %dma_wait3A_82 = arith.constant 0 : i32
        %dma_wait3A_83 = tpu.memref_slice %dma_wait3A_81[%mul3A_55, %dma_wait3A_82] : memref<16384x16xf32, #tpu.memory_space<hbm>> -> memref<128x16xf32, #tpu.memory_space<hbm>>
        tpu.wait_dma2 semaphore(%run_scoped3A : memref<!tpu.dma_semaphore, #tpu.memory_space<semaphore_mem>>) src(%arg8 : memref<128x16xf32, #tpu.memory_space<vmem>>) dst(%dma_wait3A_83 : memref<128x16xf32, #tpu.memory_space<hbm>>)
        tpu.yield
      }) : () -> ()
    }
    %while3A_50 = arith.constant 1 : i32
    scf.for %while3A_51 = %while3A_48 to %while3A_44 step %while3A_50  : i32 {
      %mul3A_52 = arith.muli %while3A_51, %while3A_40 : i32
      %add3A_53 = arith.addi %while3A_41, %mul3A_52 : i32
      %mul3A_54 = arith.constant 128 : i32
      %mul3A_55 = arith.muli %add3A_53, %mul3A_54 : i32
      "tpu.region"() ({
        %run_scoped3A = tpu.sem_alloc : memref<!tpu.dma_semaphore, #tpu.memory_space<semaphore_mem>>
        %dma_start3A_60 = arith.constant 0 : i32
        %dma_start3A_61 = tpu.memref_slice %arg2[%add3A_26, %dma_start3A_60] : memref<64x16384xi32, #tpu.memory_space<hbm>> -> memref<1x16384xi32, #tpu.memory_space<hbm>>
        %dma_start3A_62 = tpu.memref_squeeze %dma_start3A_61 : memref<1x16384xi32, #tpu.memory_space<hbm>> -> memref<16384xi32, #tpu.memory_space<hbm>>
        %dma_start3A_63 = tpu.memref_slice %dma_start3A_62[%mul3A_55] : memref<16384xi32, #tpu.memory_space<hbm>> -> memref<128xi32, #tpu.memory_space<hbm>>
        %dma_start3A_64 = arith.constant 0 : i32
        %dma_start3A_65 = tpu.memref_slice %arg2[%add3A_26, %dma_start3A_64] : memref<64x16384xi32, #tpu.memory_space<hbm>> -> memref<1x16384xi32, #tpu.memory_space<hbm>>
        %dma_start3A_66 = tpu.memref_squeeze %dma_start3A_65 : memref<1x16384xi32, #tpu.memory_space<hbm>> -> memref<16384xi32, #tpu.memory_space<hbm>>
        %dma_start3A_67 = tpu.memref_slice %dma_start3A_66[%mul3A_55] : memref<16384xi32, #tpu.memory_space<hbm>> -> memref<128xi32, #tpu.memory_space<hbm>>
        tpu.enqueue_dma source(%dma_start3A_67 : memref<128xi32, #tpu.memory_space<hbm>>) target(%arg6 : memref<128xi32, #tpu.memory_space<vmem>>) target_semaphore(%run_scoped3A : memref<!tpu.dma_semaphore, #tpu.memory_space<semaphore_mem>>)
        %dma_wait3A_68 = arith.constant 0 : i32
        %dma_wait3A_69 = tpu.memref_slice %arg2[%add3A_26, %dma_wait3A_68] : memref<64x16384xi32, #tpu.memory_space<hbm>> -> memref<1x16384xi32, #tpu.memory_space<hbm>>
        %dma_wait3A_70 = tpu.memref_squeeze %dma_wait3A_69 : memref<1x16384xi32, #tpu.memory_space<hbm>> -> memref<16384xi32, #tpu.memory_space<hbm>>
        %dma_wait3A_71 = tpu.memref_slice %dma_wait3A_70[%mul3A_55] : memref<16384xi32, #tpu.memory_space<hbm>> -> memref<128xi32, #tpu.memory_space<hbm>>
        %dma_wait3A_72 = arith.constant 0 : i32
        %dma_wait3A_73 = tpu.memref_slice %arg2[%add3A_26, %dma_wait3A_72] : memref<64x16384xi32, #tpu.memory_space<hbm>> -> memref<1x16384xi32, #tpu.memory_space<hbm>>
        %dma_wait3A_74 = tpu.memref_squeeze %dma_wait3A_73 : memref<1x16384xi32, #tpu.memory_space<hbm>> -> memref<16384xi32, #tpu.memory_space<hbm>>
        %dma_wait3A_75 = tpu.memref_slice %dma_wait3A_74[%mul3A_55] : memref<16384xi32, #tpu.memory_space<hbm>> -> memref<128xi32, #tpu.memory_space<hbm>>
        tpu.wait_dma2 semaphore(%run_scoped3A : memref<!tpu.dma_semaphore, #tpu.memory_space<semaphore_mem>>) src(%dma_wait3A_75 : memref<128xi32, #tpu.memory_space<hbm>>) dst(%arg6 : memref<128xi32, #tpu.memory_space<vmem>>)
        tpu.yield
      }) : () -> ()
      %dma_start3A = arith.constant 0 : i32
      %dma_start3A_56 = arith.constant 0 : i32
      %dma_start3A_57 = tpu.memref_slice %arg3[%dma_start3A, %dma_start3A_56] : memref<16385x16xf32, #tpu.memory_space<hbm>> -> memref<16385x16xf32, #tpu.memory_space<hbm>>
      tpu.enqueue_indirect_dma source(%dma_start3A_57 : memref<16385x16xf32, #tpu.memory_space<hbm>>) target(%arg8 : memref<128x16xf32, #tpu.memory_space<vmem>>) offsets(%arg6 : memref<128xi32, #tpu.memory_space<vmem>>) semaphore(%arg9 : memref<!tpu.dma_semaphore, #tpu.memory_space<semaphore_mem>>)
      %dma_wait3A = arith.constant 0 : i32
      %dma_wait3A_58 = arith.constant 0 : i32
      %dma_wait3A_59 = tpu.memref_slice %arg3[%dma_wait3A, %dma_wait3A_58] : memref<16385x16xf32, #tpu.memory_space<hbm>> -> memref<16385x16xf32, #tpu.memory_space<hbm>>
      tpu.wait_indirect_dma semaphore(%arg9 : memref<!tpu.dma_semaphore, #tpu.memory_space<semaphore_mem>>) src(%dma_wait3A_59 : memref<16385x16xf32, #tpu.memory_space<hbm>>) dst(%arg8 : memref<128x16xf32, #tpu.memory_space<vmem>>)
      "tpu.region"() ({
        %run_scoped3A = tpu.sem_alloc : memref<!tpu.dma_semaphore, #tpu.memory_space<semaphore_mem>>
        %dma_start3A_60 = arith.constant 0 : i32
        %dma_start3A_61 = arith.constant 0 : i32
        %dma_start3A_62 = tpu.memref_slice %arg5[%add3A_26, %dma_start3A_60, %dma_start3A_61] : memref<64x16384x16xf32, #tpu.memory_space<hbm>> -> memref<1x16384x16xf32, #tpu.memory_space<hbm>>
        %dma_start3A_63 = tpu.memref_squeeze %dma_start3A_62 : memref<1x16384x16xf32, #tpu.memory_space<hbm>> -> memref<16384x16xf32, #tpu.memory_space<hbm>>
        %dma_start3A_64 = arith.constant 0 : i32
        %dma_start3A_65 = tpu.memref_slice %dma_start3A_63[%mul3A_55, %dma_start3A_64] : memref<16384x16xf32, #tpu.memory_space<hbm>> -> memref<128x16xf32, #tpu.memory_space<hbm>>
        %dma_start3A_66 = arith.constant 0 : i32
        %dma_start3A_67 = arith.constant 0 : i32
        %dma_start3A_68 = tpu.memref_slice %arg5[%add3A_26, %dma_start3A_66, %dma_start3A_67] : memref<64x16384x16xf32, #tpu.memory_space<hbm>> -> memref<1x16384x16xf32, #tpu.memory_space<hbm>>
        %dma_start3A_69 = tpu.memref_squeeze %dma_start3A_68 : memref<1x16384x16xf32, #tpu.memory_space<hbm>> -> memref<16384x16xf32, #tpu.memory_space<hbm>>
        %dma_start3A_70 = arith.constant 0 : i32
        %dma_start3A_71 = tpu.memref_slice %dma_start3A_69[%mul3A_55, %dma_start3A_70] : memref<16384x16xf32, #tpu.memory_space<hbm>> -> memref<128x16xf32, #tpu.memory_space<hbm>>
        tpu.enqueue_dma source(%arg8 : memref<128x16xf32, #tpu.memory_space<vmem>>) target(%dma_start3A_71 : memref<128x16xf32, #tpu.memory_space<hbm>>) target_semaphore(%run_scoped3A : memref<!tpu.dma_semaphore, #tpu.memory_space<semaphore_mem>>)
        %dma_wait3A_72 = arith.constant 0 : i32
        %dma_wait3A_73 = arith.constant 0 : i32
        %dma_wait3A_74 = tpu.memref_slice %arg5[%add3A_26, %dma_wait3A_72, %dma_wait3A_73] : memref<64x16384x16xf32, #tpu.memory_space<hbm>> -> memref<1x16384x16xf32, #tpu.memory_space<hbm>>
        %dma_wait3A_75 = tpu.memref_squeeze %dma_wait3A_74 : memref<1x16384x16xf32, #tpu.memory_space<hbm>> -> memref<16384x16xf32, #tpu.memory_space<hbm>>
        %dma_wait3A_76 = arith.constant 0 : i32
        %dma_wait3A_77 = tpu.memref_slice %dma_wait3A_75[%mul3A_55, %dma_wait3A_76] : memref<16384x16xf32, #tpu.memory_space<hbm>> -> memref<128x16xf32, #tpu.memory_space<hbm>>
        %dma_wait3A_78 = arith.constant 0 : i32
        %dma_wait3A_79 = arith.constant 0 : i32
        %dma_wait3A_80 = tpu.memref_slice %arg5[%add3A_26, %dma_wait3A_78, %dma_wait3A_79] : memref<64x16384x16xf32, #tpu.memory_space<hbm>> -> memref<1x16384x16xf32, #tpu.memory_space<hbm>>
        %dma_wait3A_81 = tpu.memref_squeeze %dma_wait3A_80 : memref<1x16384x16xf32, #tpu.memory_space<hbm>> -> memref<16384x16xf32, #tpu.memory_space<hbm>>
        %dma_wait3A_82 = arith.constant 0 : i32
        %dma_wait3A_83 = tpu.memref_slice %dma_wait3A_81[%mul3A_55, %dma_wait3A_82] : memref<16384x16xf32, #tpu.memory_space<hbm>> -> memref<128x16xf32, #tpu.memory_space<hbm>>
        tpu.wait_dma2 semaphore(%run_scoped3A : memref<!tpu.dma_semaphore, #tpu.memory_space<semaphore_mem>>) src(%arg8 : memref<128x16xf32, #tpu.memory_space<vmem>>) dst(%dma_wait3A_83 : memref<128x16xf32, #tpu.memory_space<hbm>>)
        tpu.yield
      }) : () -> ()
    }
    return
  }
}

module attributes {stable_mosaic.version = 14 : i64} {
  func.func @_render_kernel(%arg0: i32, %arg1: memref<4096xi32, #tpu.memory_space<smem>>, %arg2: memref<4096xi32, #tpu.memory_space<smem>>, %arg3: memref<1x256x16xf32, #tpu.memory_space<vmem>>, %arg4: memref<256x256xf32, #tpu.memory_space<vmem>>, %arg5: memref<1x3x256xf32, #tpu.memory_space<vmem>>, %arg6: memref<1x256xf32, #tpu.memory_space<vmem>>) attributes {dimension_semantics = [#tpu.dimension_semantics<arbitrary>], iteration_bounds = array<i64: -9223372036854775808>, scalar_prefetch = 2 : i64, scratch_operands = 1 : i64, tpu.core_type = #tpu.core_type<tc>, window_params = [{transform_indices = @transform_0, window_bounds = array<i64: 1, 256, 16>}, {pipeline_mode = #tpu.pipeline_mode<synchronous>, transform_indices = @transform_1, window_bounds = array<i64: 256, 256>}, {transform_indices = @transform_2, window_bounds = array<i64: 1, 3, 256>}]} {
    %get3A = arith.index_cast %arg0 : i32 to index
    %get3A_0 = memref.load %arg1[%get3A] : memref<4096xi32, #tpu.memory_space<smem>>
    %get3A_1 = arith.index_cast %arg0 : i32 to index
    %get3A_2 = memref.load %arg2[%get3A_1] : memref<4096xi32, #tpu.memory_space<smem>>
    %get3A_3 = arith.constant 0 : index
    %get3A_4 = arith.constant 0 : index
    %get3A_5 = arith.constant 0 : index
    %get3A_6 = vector.load %arg3[%get3A_3, %get3A_4, %get3A_5] : memref<1x256x16xf32, #tpu.memory_space<vmem>>, vector<1x256x16xf32>
    %get3A_7 = vector.shape_cast %get3A_6 : vector<1x256x16xf32> to vector<256x16xf32>
    %slice3A = vector.extract_strided_slice %get3A_7 {offsets = [0, 0], sizes = [256, 1], strides = [1, 1]} : vector<256x16xf32> to vector<256x1xf32>
    %slice3A_8 = vector.extract_strided_slice %get3A_7 {offsets = [0, 1], sizes = [256, 1], strides = [1, 1]} : vector<256x16xf32> to vector<256x1xf32>
    %slice3A_9 = vector.extract_strided_slice %get3A_7 {offsets = [0, 5], sizes = [256, 1], strides = [1, 1]} : vector<256x16xf32> to vector<256x1xf32>
    %slice3A_10 = vector.extract_strided_slice %get3A_7 {offsets = [0, 6], sizes = [256, 1], strides = [1, 1]} : vector<256x16xf32> to vector<256x1xf32>
    %slice3A_11 = vector.extract_strided_slice %get3A_7 {offsets = [0, 7], sizes = [256, 1], strides = [1, 1]} : vector<256x16xf32> to vector<256x1xf32>
    %slice3A_12 = vector.extract_strided_slice %get3A_7 {offsets = [0, 8], sizes = [256, 1], strides = [1, 1]} : vector<256x16xf32> to vector<256x1xf32>
    %jit3A = arith.constant 8 : i32
    %eq3A = arith.constant 0 : i32
    %eq3A_13 = arith.cmpi eq, %jit3A, %eq3A : i32
    %jit3A_14 = arith.constant 1 : i32
    %select_n3A = arith.select %eq3A_13, %jit3A_14, %jit3A : i32
    %rem3A = arith.remsi %get3A_0, %select_n3A : i32
    %ne3A = arith.constant 0 : i32
    %ne3A_15 = arith.cmpi ne, %rem3A, %ne3A : i32
    %lt3A = arith.constant 0 : i32
    %lt3A_16 = arith.cmpi slt, %rem3A, %lt3A : i32
    %lt3A_17 = arith.constant 0 : i32
    %lt3A_18 = arith.cmpi slt, %select_n3A, %lt3A_17 : i32
    %ne3A_19 = arith.xori %lt3A_16, %lt3A_18 : i1
    %and3A = arith.andi %ne3A_19, %ne3A_15 : i1
    %add3A = arith.addi %rem3A, %select_n3A : i32
    %select_n3A_20 = arith.select %and3A, %add3A, %rem3A : i32
    %mul3A = arith.constant 16 : i32
    %mul3A_21 = arith.muli %select_n3A_20, %mul3A : i32
    %jit3A_22 = arith.constant 8 : i32
    %div3A = arith.divsi %get3A_0, %jit3A_22 : i32
    %sign3A = arith.constant 0 : i32
    %sign3A_23 = arith.cmpi sgt, %get3A_0, %sign3A : i32
    %sign3A_24 = arith.extui %sign3A_23 : i1 to i32
    %sign3A_25 = arith.constant 0 : i32
    %sign3A_26 = arith.cmpi slt, %get3A_0, %sign3A_25 : i32
    %sign3A_27 = arith.extui %sign3A_26 : i1 to i32
    %sign3A_28 = arith.subi %sign3A_24, %sign3A_27 : i32
    %sign3A_29 = arith.constant 0 : i32
    %sign3A_30 = arith.cmpi sgt, %jit3A_22, %sign3A_29 : i32
    %sign3A_31 = arith.extui %sign3A_30 : i1 to i32
    %sign3A_32 = arith.constant 0 : i32
    %sign3A_33 = arith.cmpi slt, %jit3A_22, %sign3A_32 : i32
    %sign3A_34 = arith.extui %sign3A_33 : i1 to i32
    %sign3A_35 = arith.subi %sign3A_31, %sign3A_34 : i32
    %ne3A_36 = arith.cmpi ne, %sign3A_28, %sign3A_35 : i32
    %rem3A_37 = arith.remsi %get3A_0, %jit3A_22 : i32
    %ne3A_38 = arith.constant 0 : i32
    %ne3A_39 = arith.cmpi ne, %rem3A_37, %ne3A_38 : i32
    %and3A_40 = arith.andi %ne3A_36, %ne3A_39 : i1
    %sub3A = arith.constant 1 : i32
    %sub3A_41 = arith.subi %div3A, %sub3A : i32
    %select_n3A_42 = arith.select %and3A_40, %sub3A_41, %div3A : i32
    %mul3A_43 = arith.constant 16 : i32
    %mul3A_44 = arith.muli %select_n3A_42, %mul3A_43 : i32
    %iota3A = tpu.iota {dimensions = array<i32: 1>} : vector<1x256xi32>
    %rem3A_45 = arith.constant 16 : i32
    %rem3A_46 = vector.broadcast %rem3A_45 : i32 to vector<1x256xi32>
    %rem3A_47 = arith.remsi %iota3A, %rem3A_46 : vector<1x256xi32>
    %add3A_48 = vector.broadcast %mul3A_21 : i32 to vector<1x256xi32>
    %add3A_49 = arith.addi %add3A_48, %rem3A_47 : vector<1x256xi32>
    %convert_element_type3A = arith.sitofp %add3A_49 : vector<1x256xi32> to vector<1x256xf32>
    %div3A_50 = arith.constant 16 : i32
    %div3A_51 = vector.broadcast %div3A_50 : i32 to vector<1x256xi32>
    %div3A_52 = arith.divsi %iota3A, %div3A_51 : vector<1x256xi32>
    %add3A_53 = vector.broadcast %mul3A_44 : i32 to vector<1x256xi32>
    %add3A_54 = arith.addi %add3A_53, %div3A_52 : vector<1x256xi32>
    %convert_element_type3A_55 = arith.sitofp %add3A_54 : vector<1x256xi32> to vector<1x256xf32>
    %eq3A_56 = arith.constant 0 : i32
    %eq3A_57 = arith.cmpi eq, %get3A_2, %eq3A_56 : i32
    %convert_element_type3A_58 = arith.extui %eq3A_57 : i1 to i32
    %cond3A = arith.constant 0 : i32
    %cond3A_59 = arith.cmpi ne, %convert_element_type3A_58, %cond3A : i32
    scf.if %cond3A_59 {
      %broadcast_in_dim3A_125 = arith.constant 1.000000e+00 : f32
      %broadcast_in_dim3A_126 = vector.broadcast %broadcast_in_dim3A_125 : f32 to vector<1x256xf32>
      %swap3A_127 = arith.constant 0 : index
      %swap3A_128 = arith.constant 0 : index
      %swap3A_129 = vector.load %arg6[%swap3A_127, %swap3A_128] : memref<1x256xf32, #tpu.memory_space<vmem>>, vector<1x256xf32>
      tpu.vector_store %arg6[%swap3A_127, %swap3A_128], %broadcast_in_dim3A_126 {strides = array<i32>} : memref<1x256xf32, #tpu.memory_space<vmem>>, vector<1x256xf32>,
    } else {
    }
    %get3A_60 = arith.constant 0 : index
    %get3A_61 = arith.constant 0 : index
    %get3A_62 = vector.load %arg6[%get3A_60, %get3A_61] : memref<1x256xf32, #tpu.memory_space<vmem>>, vector<1x256xf32>
    %sub3A_63 = vector.broadcast %convert_element_type3A : vector<1x256xf32> to vector<256x256xf32>
    %sub3A_64 = vector.broadcast %slice3A : vector<256x1xf32> to vector<256x256xf32>
    %sub3A_65 = arith.subf %sub3A_63, %sub3A_64 : vector<256x256xf32>
    %sub3A_66 = vector.broadcast %convert_element_type3A_55 : vector<1x256xf32> to vector<256x256xf32>
    %sub3A_67 = vector.broadcast %slice3A_8 : vector<256x1xf32> to vector<256x256xf32>
    %sub3A_68 = arith.subf %sub3A_66, %sub3A_67 : vector<256x256xf32>
    %mul3A_69 = vector.broadcast %slice3A_9 : vector<256x1xf32> to vector<256x256xf32>
    %mul3A_70 = arith.mulf %mul3A_69, %sub3A_65 : vector<256x256xf32>
    %mul3A_71 = arith.mulf %mul3A_70, %sub3A_65 : vector<256x256xf32>
    %mul3A_72 = vector.broadcast %slice3A_11 : vector<256x1xf32> to vector<256x256xf32>
    %mul3A_73 = arith.mulf %mul3A_72, %sub3A_68 : vector<256x256xf32>
    %mul3A_74 = arith.mulf %mul3A_73, %sub3A_68 : vector<256x256xf32>
    %add3A_75 = arith.addf %mul3A_71, %mul3A_74 : vector<256x256xf32>
    %mul3A_76 = arith.constant -5.000000e-01 : f32
    %mul3A_77 = vector.broadcast %mul3A_76 : f32 to vector<256x256xf32>
    %mul3A_78 = arith.mulf %mul3A_77, %add3A_75 : vector<256x256xf32>
    %mul3A_79 = vector.broadcast %slice3A_10 : vector<256x1xf32> to vector<256x256xf32>
    %mul3A_80 = arith.mulf %mul3A_79, %sub3A_65 : vector<256x256xf32>
    %mul3A_81 = arith.mulf %mul3A_80, %sub3A_68 : vector<256x256xf32>
    %sub3A_82 = arith.subf %mul3A_78, %mul3A_81 : vector<256x256xf32>
    %min3A = arith.constant 0.000000e+00 : f32
    %min3A_83 = vector.broadcast %min3A : f32 to vector<256x256xf32>
    %min3A_84 = arith.minimumf %sub3A_82, %min3A_83 : vector<256x256xf32>
    %exp3A = math.exp %min3A_84 : vector<256x256xf32>
    %mul3A_85 = vector.broadcast %slice3A_12 : vector<256x1xf32> to vector<256x256xf32>
    %mul3A_86 = arith.mulf %mul3A_85, %exp3A : vector<256x256xf32>
    %min3A_87 = arith.constant 9.900000e-01 : f32
    %min3A_88 = vector.broadcast %min3A_87 : f32 to vector<256x256xf32>
    %min3A_89 = arith.minimumf %min3A_88, %mul3A_86 : vector<256x256xf32>
    %le3A = arith.constant 0.000000e+00 : f32
    %le3A_90 = vector.broadcast %le3A : f32 to vector<256x256xf32>
    %le3A_91 = arith.cmpf ole, %sub3A_82, %le3A_90 : vector<256x256xf32>
    %ge3A = arith.constant 0.00392156886 : f32
    %ge3A_92 = vector.broadcast %ge3A : f32 to vector<256x256xf32>
    %ge3A_93 = arith.cmpf oge, %min3A_89, %ge3A_92 : vector<256x256xf32>
    %and3A_94 = arith.andi %le3A_91, %ge3A_93 : vector<256x256xi1>
    %jit3A_95 = arith.constant 0.000000e+00 : f32
    %broadcast_in_dim3A = vector.broadcast %jit3A_95 : f32 to vector<256x256xf32>
    %select_n3A_96 = arith.select %and3A_94, %min3A_89, %broadcast_in_dim3A : vector<256x256xi1>, vector<256x256xf32>
    %neg3A = arith.constant 0.000000e+00 : f32
    %neg3A_97 = vector.broadcast %neg3A : f32 to vector<256x256xf32>
    %neg3A_98 = arith.subf %neg3A_97, %select_n3A_96 : vector<256x256xf32>
    %log1p3A = math.log1p %neg3A_98 : vector<256x256xf32>
    %get3A_99 = arith.constant 0 : index
    %get3A_100 = arith.constant 0 : index
    %get3A_101 = vector.load %arg4[%get3A_99, %get3A_100] : memref<256x256xf32, #tpu.memory_space<vmem>>, vector<256x256xf32>
    %dot_general3A = arith.constant dense<0.000000e+00> : vector<256x256xf32>
    %dot_general3A_102 = tpu.matmul %get3A_101, %log1p3A, %dot_general3A {dimension_numbers = #tpu.dot_dimension_numbers<[1], [0], [0], [1], [0, 0, 1, 1], [], []>, precision = #tpu.contract_precision<fp32>, transpose_lhs_hint = false} : vector<256x256xf32>, vector<256x256xf32>, vector<256x256xf32> -> vector<256x256xf32>
    %exp3A_103 = math.exp %dot_general3A_102 : vector<256x256xf32>
    %mul3A_104 = arith.mulf %select_n3A_96, %exp3A_103 : vector<256x256xf32>
    %mul3A_105 = vector.broadcast %get3A_62 : vector<1x256xf32> to vector<256x256xf32>
    %mul3A_106 = arith.mulf %mul3A_104, %mul3A_105 : vector<256x256xf32>
    %slice3A_107 = vector.extract_strided_slice %get3A_7 {offsets = [0, 2], sizes = [256, 3], strides = [1, 1]} : vector<256x16xf32> to vector<256x3xf32>
    %dot_general3A_108 = arith.constant dense<0.000000e+00> : vector<3x256xf32>
    %dot_general3A_109 = tpu.matmul %slice3A_107, %mul3A_106, %dot_general3A_108 {dimension_numbers = #tpu.dot_dimension_numbers<[0], [0], [1], [1], [0, 1, 1, 1], [], []>, precision = #tpu.contract_precision<fp32>, transpose_lhs_hint = false} : vector<256x3xf32>, vector<256x256xf32>, vector<3x256xf32> -> vector<3x256xf32>
    %eq3A_110 = arith.constant 0 : i32
    %eq3A_111 = arith.cmpi eq, %get3A_2, %eq3A_110 : i32
    %convert_element_type3A_112 = arith.extui %eq3A_111 : i1 to i32
    %cond3A_113 = arith.constant 0 : i32
    %cond3A_114 = arith.cmpi ne, %convert_element_type3A_112, %cond3A_113 : i32
    scf.if %cond3A_114 {
      %swap3A_125 = arith.constant 0 : index
      %swap3A_126 = arith.constant 0 : index
      %swap3A_127 = arith.constant 0 : index
      %swap3A_128 = vector.load %arg5[%swap3A_125, %swap3A_126, %swap3A_127] : memref<1x3x256xf32, #tpu.memory_space<vmem>>, vector<1x3x256xf32>
      %swap3A_129 = vector.shape_cast %swap3A_128 : vector<1x3x256xf32> to vector<3x256xf32>
      %swap3A_130 = vector.shape_cast %dot_general3A_109 : vector<3x256xf32> to vector<1x3x256xf32>
      tpu.vector_store %arg5[%swap3A_125, %swap3A_126, %swap3A_127], %swap3A_130 {strides = array<i32>} : memref<1x3x256xf32, #tpu.memory_space<vmem>>, vector<1x3x256xf32>,
    } else {
    }
    %gt3A = arith.constant 0 : i32
    %gt3A_115 = arith.cmpi sgt, %get3A_2, %gt3A : i32
    %convert_element_type3A_116 = arith.extui %gt3A_115 : i1 to i32
    %cond3A_117 = arith.constant 0 : i32
    %cond3A_118 = arith.cmpi ne, %convert_element_type3A_116, %cond3A_117 : i32
    scf.if %cond3A_118 {
      %get3A_125 = arith.constant 0 : index
      %get3A_126 = arith.constant 0 : index
      %get3A_127 = arith.constant 0 : index
      %get3A_128 = vector.load %arg5[%get3A_125, %get3A_126, %get3A_127] : memref<1x3x256xf32, #tpu.memory_space<vmem>>, vector<1x3x256xf32>
      %get3A_129 = vector.shape_cast %get3A_128 : vector<1x3x256xf32> to vector<3x256xf32>
      %add3A_130 = arith.addf %get3A_129, %dot_general3A_109 : vector<3x256xf32>
      %swap3A_131 = arith.constant 0 : index
      %swap3A_132 = arith.constant 0 : index
      %swap3A_133 = arith.constant 0 : index
      %swap3A_134 = vector.load %arg5[%swap3A_131, %swap3A_132, %swap3A_133] : memref<1x3x256xf32, #tpu.memory_space<vmem>>, vector<1x3x256xf32>
      %swap3A_135 = vector.shape_cast %swap3A_134 : vector<1x3x256xf32> to vector<3x256xf32>
      %swap3A_136 = vector.shape_cast %add3A_130 : vector<3x256xf32> to vector<1x3x256xf32>
      tpu.vector_store %arg5[%swap3A_131, %swap3A_132, %swap3A_133], %swap3A_136 {strides = array<i32>} : memref<1x3x256xf32, #tpu.memory_space<vmem>>, vector<1x3x256xf32>,
    } else {
    }
    %reduce_sum3A = arith.constant dense<0.000000e+00> : vector<256xf32>
    %reduce_sum3A_119 = vector.multi_reduction <add>, %log1p3A, %reduce_sum3A [0] : vector<256x256xf32> to vector<256xf32>
    %broadcast_in_dim3A_120 = vector.shape_cast %reduce_sum3A_119 : vector<256xf32> to vector<1x256xf32>
    %exp3A_121 = math.exp %broadcast_in_dim3A_120 : vector<1x256xf32>
    %mul3A_122 = arith.mulf %get3A_62, %exp3A_121 : vector<1x256xf32>
    %swap3A = arith.constant 0 : index
    %swap3A_123 = arith.constant 0 : index
    %swap3A_124 = vector.load %arg6[%swap3A, %swap3A_123] : memref<1x256xf32, #tpu.memory_space<vmem>>, vector<1x256xf32>
    tpu.vector_store %arg6[%swap3A, %swap3A_123], %mul3A_122 {strides = array<i32>} : memref<1x256xf32, #tpu.memory_space<vmem>>, vector<1x256xf32>,
    return
  }
  func.func @transform_0(%arg0: i32, %arg1: memref<4096xi32, #tpu.memory_space<smem>>, %arg2: memref<4096xi32, #tpu.memory_space<smem>>) -> (i32, i32, i32) {
    %get3A = arith.index_cast %arg0 : i32 to index
    %get3A_0 = memref.load %arg1[%get3A] : memref<4096xi32, #tpu.memory_space<smem>>
    %get3A_1 = arith.index_cast %arg0 : i32 to index
    %get3A_2 = memref.load %arg2[%get3A_1] : memref<4096xi32, #tpu.memory_space<smem>>
    %c0_i32 = arith.constant 0 : i32
    %c0_i32_3 = arith.constant 0 : i32
    return %get3A_0, %get3A_2, %c0_i32 : i32, i32, i32
  }
  func.func @transform_1(%arg0: i32, %arg1: memref<4096xi32, #tpu.memory_space<smem>>, %arg2: memref<4096xi32, #tpu.memory_space<smem>>) -> (i32, i32) {
    %c0_i32 = arith.constant 0 : i32
    %c0_i32_0 = arith.constant 0 : i32
    %c0_i32_1 = arith.constant 0 : i32
    return %c0_i32, %c0_i32_0 : i32, i32
  }
  func.func @transform_2(%arg0: i32, %arg1: memref<4096xi32, #tpu.memory_space<smem>>, %arg2: memref<4096xi32, #tpu.memory_space<smem>>) -> (i32, i32, i32) {
    %get3A = arith.index_cast %arg0 : i32 to index
    %get3A_0 = memref.load %arg1[%get3A] : memref<4096xi32, #tpu.memory_space<smem>>
    %c0_i32 = arith.constant 0 : i32
    %c0_i32_1 = arith.constant 0 : i32
    %c0_i32_2 = arith.constant 0 : i32
    return %get3A_0, %c0_i32, %c0_i32_1 : i32, i32, i32
  }
}

</mosaic_0001>

<sc_bundles>
// kernel: gather_offload_async_start
scs
__scs_entry_jumppad:
0x0: {  	(pc) =	sbr.rel $0x88, $3  }
0x1: {  	(tag) =	ssettag $0x0;
	lr =	simm.s32 $0x1  }
0x2: {  	[smem:$0x3F9C] =	sst lr;
	_ =	strace $0xD0000000  }
0x3: {  	_ = 	snop  }
0x4: {  	_ = 	snop  }
0x5: {  	_ = 	snop  }
0x6: {  	_ = 	snop  }
0x7: {  	_ = 	snop  }
__scs_overlays_trampoline_lowered:
0x8: {  	[smem:$0x3FAB] =	sst s0  }
0x9: {  	[smem:$0x3FAC] =	sst s1  }
0xa: {  	[smem:$0x3FAD] =	sst s2  }
0xb: {  	[smem:$0x3FAE] =	sst s3  }
0xc: {  	[smem:$0x3FAF] =	sst s4  }
0xd: {  	[smem:$0x3FB0] =	sst s5  }
0xe: {  	[smem:$0x3FB1] =	sst s6  }
0xf: {  	[smem:$0x3FB2] =	sst s7  }
0x10: {  	[smem:$0x3FB3] =	sst s8  }
0x11: {  	[smem:$0x3FB4] =	sst s9;
	s0 =	simm.s32 @!p0 $0x0  }
0x12: {  	s1 =	sld [smem:$0x3F9A];
	s0 =	simm.s32 @p0 $0x1  }
0x13: {  	[smem:$0x3FB5] =	sst s0;
	s0 =	simm.s32 @!p1 $0x0  }
0x14: {  	s2 =	sld [smem:$0x3F99];
	s0 =	simm.s32 @p1 $0x1  }
0x15: {  	[smem:$0x3FB6] =	sst s0;
	s0 =	simm.s32 @!p2 $0x0  }
0x16: {  	s3 =	sld [smem:$0x3FDB];
	s0 =	simm.s32 @p2 $0x1  }
0x17: {  	s4 =	simm.s32 $0x1BF5;
	[smem:$0x3FB8] =	sst s0  }
0x18: {  	s0 =	sld [smem:$0x3F9B];
	_ =	swait.ge [sflag:s4], $0x0  }
0x19: {  	s7 =	sld [smem:$0x3F9C]  }
0x1a: {  	s8 =	sadd.s32 $0xFFFFE003, lr  }
0x1b: {  	s9 =	sadd.s32 $0xFFFFFEF7, lr;
	s5 =	simm.s32 $0xFFFFFFFF;
	p2 =	slt.u32 s8, $0xFFFFF086  }
0x1c: {  	p1 =	slt.u32 s9, $0xF7A;
	s5 =	simm.s32 @!p2 $0x0  }
0x1d: {  	s5 =	simm.s32 @p1 $0x1;
	p0 =	seq.s32 s7, s2  }
0x1e: {  	s7 =	smul.u32 @!p0 $0xF7A, s2;
	p2 =	seq.s32 @!p0 s5, $0x0  }
0x1f: {  	s9 =	smul.u32 $0xF7A, s1;
	s8 =	simm.s32 @!p0 $0x1BF5;
	p2 =	por !p2, p0  }
0x20: {  	[sflag:s8] =	ssyncset.s32 @!p0 $0xFFFFF086;
	s6 =	sadd.s32 @!p0 s3, s7;
	s7 =	simm.s32 @!p0 $0x108  }
0x21: {  	s3 =	sadd.s32 s3, s9;
	s6 =	sadd.s32 @!p0 $0x88, s6;
	s7 =	simm.s32 @p2 $0x1082  }
0x22: {  	[simem:s7], [sflag:s8] =	dma.local @!p0 [hbm:s6], $0xF7A  }
0x23: {  	s9 =	sor.u32 $0xD0000000, s2;
	s6 =	simm.s32 $0x108;
	_ =	swait.ge @!p0 [sflag:s8], $0x0  }
0x24: {  	s3 =	sadd.s32 $0x88, s3;
	s6 =	simm.s32 @!p1 $0x1082;
	[sflag:s4] =	ssyncset.s32 $0xFFFFF086  }
0x25: {  	[simem:s6], [sflag:s4] =	dma.local [hbm:s3], $0xF7A  }
0x26: {  	[smem:$0x3F9C] =	sst s1;
	(tag) =	ssettag s2;
	_ =	strace s9  }
0x27: {  	s1 =	sld [smem:$0x3FAC]  }
0x28: {  	s2 =	sld [smem:$0x3FAD]  }
0x29: {  	s4 =	sld [smem:$0x3FAF]  }
0x2a: {  	p0 =	seq.s32 s5, $0x0;
	s5 =	sld [smem:$0x3FB0]  }
0x2b: {  	s6 =	sld [smem:$0x3FB1]  }
0x2c: {  	s7 =	sld [smem:$0x3FB2]  }
0x2d: {  	s3 =	simm.s32 $0x108;
	s8 =	sld [smem:$0x3FB3]  }
0x2e: {  	s3 =	simm.s32 @!p0 $0x1082;
	s9 =	sld [smem:$0x3FB4]  }
0x2f: {  	lr =	sadd.s32 s0, s3;
	s0 =	sld [smem:$0x3FAB]  }
0x30: {  	s3 =	sld [smem:$0x3FAE]  }
0x31: {  	[smem:$0x3FB7] =	sst s10  }
0x32: {  	s10 =	sld [smem:$0x3FB5];
	_ =	sdelay $0x3  }
0x33: {  	p0 =	seq.s32 s10, $0x1;
	s10 =	sld [smem:$0x3FB7];
	_ =	sdelay $0x3  }
0x34: {  	[smem:$0x3FB7] =	sst s10  }
0x35: {  	s10 =	sld [smem:$0x3FB6];
	_ =	sdelay $0x3  }
0x36: {  	p1 =	seq.s32 s10, $0x1;
	s10 =	sld [smem:$0x3FB7];
	_ =	sdelay $0x3  }
0x37: {  	[smem:$0x3FB7] =	sst s10  }
0x38: {  	s10 =	sld [smem:$0x3FB8]  }
0x39: {  	_ = 	snop;
	(pc) =	sbr.ind lr, $3  }
0x3a: {  	_ = 	snop  }
0x3b: {  	_ = 	snop  }
0x3c: {  	p2 =	seq.s32 s10, $0x1;
	s10 =	sld [smem:$0x3FB7]  }
0x3d: {  	_ =	shalt  }
0x3e: {  	_ =	shalt  }
0x3f: {  	_ =	shalt  }
0x40: {  	_ =	shalt  }
0x41: {  	_ =	shalt  }
0x42: {  	_ =	shalt  }
0x43: {  	_ =	shalt  }
0x44: {  	_ =	shalt  }
0x45: {  	_ =	shalt  }
0x46: {  	_ =	shalt  }
0x47: {  	_ =	shalt  }
0x48: {  	_ =	shalt  }
0x49: {  	_ =	shalt  }
0x4a: {  	_ =	shalt  }
0x4b: {  	_ =	shalt  }
0x4c: {  	_ =	shalt  }
0x4d: {  	_ =	shalt  }
0x4e: {  	_ =	shalt  }
0x4f: {  	_ =	shalt  }
0x50: {  	_ =	shalt  }
0x51: {  	_ =	shalt  }
0x52: {  	_ =	shalt  }
0x53: {  	_ =	shalt  }
0x54: {  	_ =	shalt  }
0x55: {  	_ =	shalt  }
0x56: {  	_ =	shalt  }
0x57: {  	_ =	shalt  }
0x58: {  	_ =	shalt  }
0x59: {  	_ =	shalt  }
0x5a: {  	_ =	shalt  }
0x5b: {  	_ =	shalt  }
0x5c: {  	_ =	shalt  }
0x5d: {  	_ =	shalt  }
0x5e: {  	_ =	shalt  }
0x5f: {  	_ =	shalt  }
0x60: {  	_ =	shalt  }
0x61: {  	_ =	shalt  }
0x62: {  	_ =	shalt  }
0x63: {  	_ =	shalt  }
0x64: {  	_ =	shalt  }
0x65: {  	_ =	shalt  }
0x66: {  	_ =	shalt  }
0x67: {  	_ =	shalt  }
0x68: {  	_ =	shalt  }
0x69: {  	_ =	shalt  }
0x6a: {  	_ =	shalt  }
0x6b: {  	_ =	shalt  }
0x6c: {  	_ =	shalt  }
0x6d: {  	_ =	shalt  }
0x6e: {  	_ =	shalt  }
0x6f: {  	_ =	shalt  }
0x70: {  	_ =	shalt  }
0x71: {  	_ =	shalt  }
0x72: {  	_ =	shalt  }
0x73: {  	_ =	shalt  }
0x74: {  	_ =	shalt  }
0x75: {  	_ =	shalt  }
0x76: {  	_ =	shalt  }
0x77: {  	_ =	shalt  }
0x78: {  	_ =	shalt  }
0x79: {  	_ =	shalt  }
0x7a: {  	_ =	shalt  }
0x7b: {  	_ =	shalt  }
0x7c: {  	_ =	shalt  }
0x7d: {  	_ =	shalt  }
0x7e: {  	_ =	shalt  }
0x7f: {  	_ =	shalt  }
0x80: {  	_ =	shalt  }
0x81: {  	_ =	shalt  }
0x82: {  	_ =	shalt  }
0x83: {  	_ =	shalt  }
0x84: {  	_ =	shalt  }
0x85: {  	_ =	shalt  }
0x86: {  	_ =	shalt  }
0x87: {  	_ =	shalt  }
.Lfunc_end0:
.L_simem_size_0:
called_computation.1_lowered:
.L_overlay_start_0:
0x88: {  	s2 =	sld [smem:$0x3FD9]  }
0x89: {  	s3 =	sld [smem:$0x3FFE];
	_ =	sdelay $0x1  }
0x8a: {  	s1 =	srdreg.scid  }
0x8b: {  	s0 =	sand.u32 $0x1, s1  }
0x8c: {  	s16 =	sshll.u32 s0, $0xA;
	s2 =	sadd.s32 s3, s2  }
0x8d: {  	s2 =	sadd.s32 s2, s16  }
0x8e: {  	[smem:$0x3FC3] =	sst s2  }
0x8f: {  	_ = 	snop  }
0x90: {  	(tm) =	ssettm $0x1  }
0x91: {  	s17 =	sld [smem:$0x3FFB];
	_ =	sdelay $0x3  }
0x92: {  	_ =	strace s17  }
0x93: {  	s2 =	sld [smem:$0x3FFC];
	_ =	sdelay $0x3  }
0x94: {  	_ =	strace s2  }
0x95: {  	s2 =	sld [smem:$0x3FFD];
	_ =	sdelay $0x3  }
0x96: {  	_ =	strace s2  }
0x97: {  	_ =	strace $0x8FFFFFFF  }
0x98: {  	s18 =	sld [smem:$0x3FDB];
	_ =	sdelay $0x1  }
0x99: {  	s19 =	simm.s32 $_scs_section_size  }
0x9a: {  	s4 =	simm.s32 $_size__tile_overlayer_lowered;
	s5 =	simm.s32 $_tile_overlayer_lowered  }
0x9b: {  	s22 =	simm.s32 $0x1BFF;
	s21 =	sshll.u32 s5, $0x1;
	s2 =	sadd.s32 s19, s18  }
0x9c: {  	s6 =	simm.s32 $0x0;
	s20 =	sshll.u32 s4, $0x1;
	s4 =	sadd.s32 s21, s2  }
0x9d: {  	[timem:s6], [sflag:s22] =	dma.local [hbm:s4], s20  }
0x9e: {  	_ =	swait.ge [sflag:s22], s20  }
0x9f: {  	s3 =	ssub.s32 $0x0, s20;
	[sflag:s22] =	ssyncset.done $0x0  }
0xa0: {  	[sflag:s22] =	ssyncadd.s32 s3;
	_ =	sdelay $0x1  }
0xa1: {  	s23 =	simm.s32 $0x1B8B  }
0xa2: {  	_ =	swait.ge [sflag:s23], $0x1  }
0xa3: {  	[sflag:s23] =	ssyncset.done $0x0  }
0xa4: {  	s25 =	simm.s32 $0x1B8E;
	s24 =	sld [smem:$0x3FFE];
	[sflag:s23] =	ssyncadd.s32 $0xFFFFFFFF  }
0xa5: {  	s26 =	simm.s32 $execute0_lowered;
	[smem:$0x3FD2] =	sst s25  }
0xa6: {  	s4 =	sshll.u32 s26, $0x1;
	_ =	strace $0x80000046;
	[dreg:$0x1] =	wrdreg $0xFFFFFFFF  }
0xa7: {  	s28 =	simm.s32 $_size_execute0_lowered;
	s2 =	sadd.s32 s2, s4;
	[dreg:$0x0] =	wrdreg $0x0  }
0xa8: {  	s4 =	sshll.u32 s28, $0x1;
	[dreg:$0x2] =	wrdreg s2  }
0xa9: {  	[dreg:$0x3] =	wrdreg s4  }
0xaa: {  	[dreg:$0x4] =	wrdreg $0xC0  }
0xab: {  	_ =	task [dreg:s6], $0x5FFFF  }
0xac: {  	[dreg:$0x1] =	wrdreg $0xFFFFFFFF  }
0xad: {  	[dreg:$0x0] =	wrdreg $0x60  }
0xae: {  	[dreg:$0x2] =	wrdreg s24  }
0xaf: {  	[dreg:$0x3] =	wrdreg $0x9  }
0xb0: {  	_ =	task.clear_ibuf [dreg:s6], $0x4FFFF;
	_ =	strace $0x90000046  }
0xb1: {  	s29 =	simm.s32 $0x9;
	_ =	strace $0x80000048  }
0xb2: {  	_ =	swait.ge [sflag:s29], $0x1  }
0xb3: {  	[sflag:s29] =	ssyncadd.s32 $0xFFFFFFFF  }
0xb4: {  	_ =	strace $0x90000048  }
0xb5: {  	_ =	sfence  }
0xb6: {  	s30 =	sld [smem:$0x0];
	_ =	sdelay $0x2  }
0xb7: {  	s31 =	sshll.u32 s1, $0xD;
	s1 =	sshrl.u32 s1, $0x2  }
0xb8: {  	s3 =	sand.u32 $0x4000, s31;
	s1 =	sadd.s32 s1, s30  }
0xb9: {  	s0 =	sor.u32 s3, s0;
	s1 =	sshll.u32 s1, $0x11  }
0xba: {  	s0 =	sor.u32 s1, s0  }
0xbb: {  	s0 =	sadd.s32 $0x8F2B, s0  }
0xbc: {  	[sflag:s0] =	ssyncadd.remote.s32 $0x1  }
0xbd: {  	_ =	sfence.sel $0xFFFF  }
0xbe: {  	[dreg:$0x0] =	wrdreg $0xFFFFFFFF;
	(pc) =	sbr.abs _section_cstart, $3  }
0xbf: {  	[dreg:$0x1] =	wrdreg $0xFFFFFFFF  }
0xc0: {  	_ =	task.clear_ibuf [dreg:s6], $0x2FFFF;
	_ =	strace $0x9FFFFFFF  }
0xc1: {  	(tm) =	ssettm $0x7FFFFFFF  }
tec
execute0_lowered:
.L_overlay_start_1:
0x0: {  	(tag) =	ssettag $0x1  }
0x1: {  	s2 =	rddreg [dreg:$0x0]  }
0x2: {  	s0 =	rddreg [dreg:$0x1]  }
0x3: {  	s1 =	srdreg.scid;
	_ =	strace $0x80000047;
	s4 =	simm.s32 $0x1  }
0x4: {  	s9 =	simm.s32 $0x3;
	s11 =	simm.s32 $0x0;
	s5 =	sshll.u32 s1, $0x4  }
.Ltmp0:
0x5: {  	s1 =	stileid.u32;
	s5 =	sand.u32 $0x10, s5;
	(pc) =	sbr.rel .LBB2_1-.Ltmp0, $4  }
0x6: {  	p0 =	por $0x0, $0x0;
	s3 =	sadd.s32 $0x601800, s2;
	s6 =	sor.u32 s1, s5  }
0x7: {  	[sflag:s4] =	ssyncpa.u1 $0x0;
	s5 =	simm.s32 $0x2;
	s6 =	sshll.u32 s6, $0x9  }
0x8: {  	s7 =	sadd.s32 $0x601000, s2;
	[sflag:s5] =	ssyncpa.u1 $0x0;
	s8 =	sadd.s32 $0x200, s6  }
0x9: {  	vm0 =	vmmov $0xff;
	vm1 =	vcmask $0x3F20;
	[sflag:s9] =	ssyncpa.u1 $0x0;
	s10 =	smov.u32 s6;
	s9 =	simm.s32 $0x0  }
.LBB2_7:
0xa: {  	p1 =	slt.u32 s9, $0x2;
	s11 =	sadd.s32 $0x100, s10  }
0xb: {  	s13 =	smov.u32 s6;
	s9 =	sadd.s32 $0x1, s9;
	p2 =	slt.s32 s11, s8  }
0xc: {  	s13 =	smov.u32 @p2 s11;
	p2 =	sne.s32 s9, $0x4  }
.Ltmp1:
0xd: {  	_ = 	snop;
	(pc) =	sbr.rel @!p2 .LBB2_8-.Ltmp1, $4  }
0xe: {  	s12 =	simm.s32 @!p1 $0x3  }
0xf: {  	_ =	swait.ge @!p1 [sflag:s12], $0x8000  }
0x10: {  	p0 =	por !p0, !p0;
	[sflag:s12] =	ssyncset.done @!p1 $0x0  }
0x11: {  	s11 =	smov.u32 s10;
	s10 =	smov.u32 s13;
	[sflag:s12] =	ssyncadd.s32 @!p1 $0xFFFF8000  }
.LBB2_1:
0x12: {  	p1 =	sgt.u32 s9, $0x1  }
0x13: {  	s12 =	sshll.u32 @!p1 s9, $0x8;
	s13 =	sshrl.u32 @!p1 s10, $0x3  }
0x14: {  	s14 =	sand.u32 @!p1 $0x7, s10;
	s12 =	sxor.u32 @!p1 $0x100, s12;
	s13 =	sadd.s32 @!p1 s7, s13  }
0x15: {  	[tilespmem:s12], [sflag:$0x2] =	stream.linear.gather @!p1 [hbm4b:s13+s14], $0x100, $0x38;
	[tilespmem:$0x10200] =	vst v63  }
0x16: {  	p1 =	seq.s32 s9, $0x0  }
0x17: {  	p2 =	seq.s32 @!p1 s9, $0x3  }
0x18: {  	p1 =	por p1, p2  }
.Ltmp2:
0x19: {  	_ = 	snop;
	(pc) =	sbr.rel @p1 .LBB2_7-.Ltmp2, $1  }
0x1a: {  	_ =	sdelay $0x3  }
0x1b: {  	s12 =	simm.s32 $0x1  }
0x1c: {  	_ =	swait.ge [sflag:s5], $0x100;
	s12 =	simm.s32 @!p0 $0x0  }
0x1d: {  	[sflag:s5] =	ssyncset.done $0x0;
	s14 =	sshll.u32 s12, $0x8  }
0x1e: {  	[sflag:s5] =	ssyncadd.s32 $0xFFFFFF00;
	s13 =	sadd.s32 $0x0, s14  }
0x1f: {  	v0 =	vld.msk [tilespmem:s13+$0x0 ss:$0x1], $0xffff;
	_ =	sdelay $0x4  }
0x20: {  	vm2 =	vgt.s32 v0, $0x0  }
0x21: {  	v0 =	vnsel vm2, $0x0, v0  }
0x22: {  	v0 =	vmin.u32 v0, $0x3FFF  }
0x23: {  	v0 =	vshll.u32 v0, $0x4;
	_ =	sdelay $0x2  }
0x24: {  	s12 =	sshll.u32 s12, $0xF  }
0x25: {  	s12 =	sor.u32 $0x200, s12  }
0x26: {  	[tilespmem:s12], [sflag:$0x1] =	stream.indirect_vreg.gather [hbm:s3], $0x80, v0, vm0, $0x38;
	[tilespmem:$0x10200] =	vst v63  }
0x27: {  	s15 =	sadd.s32 $0x10, s14;
	s13 =	sadd.s32 $0x400, s12  }
0x28: {  	[tilespmem:s13], [sflag:$0x1] =	stream.indirect_vreg.gather [hbm:s3], $0x80, v0, vm1, $0x38;
	[tilespmem:$0x10200] =	vst v63  }
0x29: {  	s16 =	simm.s32 $0x80;
	v0 =	vld.msk [tilespmem:s15+$0x0 ss:$0x1], $0xffff;
	s15 =	smov.u32 s12  }
.LBB2_3:
0x2a: {  	p1 =	sne.s32 s16, $0x3C0;
	_ =	sdelay $0x4  }
0x2b: {  	vm2 =	vgt.s32 v0, $0x0  }
0x2c: {  	v0 =	vnsel vm2, $0x0, v0  }
0x2d: {  	v0 =	vmin.u32 v0, $0x3FFF  }
0x2e: {  	v0 =	vshll.u32 v0, $0x4;
	_ =	sdelay $0x3  }
.Ltmp3:
0x2f: {  	s17 =	sshra.s32 s16, $0x2;
	s15 =	sadd.s32 $0x800, s15;
	(pc) =	sbr.rel @p1 .LBB2_3-.Ltmp3, $4  }
0x30: {  	[tilespmem:s15], [sflag:$0x1] =	stream.indirect_vreg.gather [hbm:s3], $0x80, v0, vm0, $0x38;
	[tilespmem:$0x10200] =	vst v63  }
0x31: {  	s17 =	sadd.s32 s17, s14;
	s18 =	sadd.s32 $0x400, s15  }
0x32: {  	[tilespmem:s18], [sflag:$0x1] =	stream.indirect_vreg.gather [hbm:s3], $0x80, v0, vm1, $0x38;
	[tilespmem:$0x10200] =	vst v63  }
0x33: {  	s16 =	sadd.s32 $0x40, s16;
	v0 =	vld.msk [tilespmem:s17+$0x0 ss:$0x1], $0xffff  }
0x34: {  	_ =	sdelay $0x3  }
0x35: {  	vm2 =	vgt.s32 v0, $0x0  }
0x36: {  	v0 =	vnsel vm2, $0x0, v0  }
0x37: {  	v0 =	vmin.u32 v0, $0x3FFF  }
0x38: {  	v0 =	vshll.u32 v0, $0x4;
	_ =	sdelay $0x3  }
0x39: {  	s14 =	sadd.s32 $0x800, s15  }
0x3a: {  	[tilespmem:s14], [sflag:$0x1] =	stream.indirect_vreg.gather [hbm:s3], $0x80, v0, vm0, $0x38;
	[tilespmem:$0x10200] =	vst v63  }
0x3b: {  	s14 =	sadd.s32 $0x400, s14  }
0x3c: {  	[tilespmem:s14], [sflag:$0x1] =	stream.indirect_vreg.gather [hbm:s3], $0x80, v0, vm1, $0x38;
	[tilespmem:$0x10200] =	vst v63  }
0x3d: {  	s11 =	sshll.u32 s11, $0x4;
	_ =	swait.ge [sflag:s4], $0x8000  }
0x3e: {  	s11 =	sadd.s32 s11, s2;
	[sflag:s4] =	ssyncset.done $0x0  }
0x3f: {  	s15 =	sadd.s32 $0x0, s11;
	s14 =	simm.s32 $0x80;
	[sflag:s4] =	ssyncadd.s32 $0xFFFF8000  }
.LBB2_5:
0x40: {  	[hbm:s15] =	stream.linear.scatter [tilespmem:s12], [sflag:$0x3], $0x400, $0x38;
	[tilespmem:$0x10200] =	vst v63  }
0x41: {  	s15 =	smov.u32 s14;
	s12 =	smov.u32 s13;
	p1 =	sne.s32 s14, $0xF80  }
.Ltmp4:
0x42: {  	s14 =	sadd.s32 $0x80, s14;
	(pc) =	sbr.rel @p1 .LBB2_5-.Ltmp4, $2  }
0x43: {  	_ =	sdelay $0x2  }
0x44: {  	s13 =	sadd.s32 $0x400, s13;
	s15 =	sadd.s32 s15, s11  }
.Ltmp5:
0x45: {  	(pc) =	sbr.rel .LBB2_7-.Ltmp5, $2  }
0x46: {  	_ =	sdelay $0x2  }
0x47: {  	[hbm:s15] =	stream.linear.scatter [tilespmem:s12], [sflag:$0x3], $0x400, $0x38;
	[tilespmem:$0x10200] =	vst v63  }
.LBB2_8:
0x48: {  	_ =	sfence.sel $0x180000  }
0x49: {  	s2 =	simm.s32 $0x2;
	[bflag:$0x0] =	sbarrier.arrive $0xFFFF  }
0x4a: {  	s30 =	simm.s32 $0x3;
	[sflag:s2] =	ssyncpa.u1 $0x1  }
0x4b: {  	s31 =	simm.s32 $0x1;
	[sflag:s30] =	ssyncpa.u1 $0x1  }
0x4c: {  	[sflag:s31] =	ssyncpa.u1 $0x1  }
0x4d: {  	p0 =	sne.s32 s1, $0x0;
	_ =	strace $0x90000047  }
0x4e: {  	s0 =	sadd.s32 @!p0 $0x100000, s0;
	[bflag:$0x2] =	sbarrier.arrive $0xFFFF  }
0x4f: {  	[sflag:s0] =	ssyncadd.tile.s32 @!p0 $0x1;
	_ =	shalt  }
.Lfunc_end2:
_tile_overlayer_lowered:
.L_overlay_start_2:
0x50: {  	(tag) =	ssettag $0x2  }
0x51: {  	s0 =	rddreg [dreg:$0x0];
	s2 =	stileid.u32  }
0x52: {  	s1 =	rddreg [dreg:$0x1];
	p0 =	sne.s32 s2, $0x0  }
0x53: {  	s3 =	rddreg [dreg:$0x2];
	[bflag:$0x3] =	sbarrier.arrive $0xFFFF;
	s2 =	simm.s32 @!p0 $0x1C01  }
0x54: {  	[timem:s3], [sflag:s2] =	dma.local @!p0 [hbm:s0], s1  }
0x55: {  	s0 =	simm.s32 @!p0 $0x1  }
0x56: {  	_ =	swait.ge @!p0 [sflag:s0], s1  }
0x57: {  	s1 =	ssub.s32 @!p0 $0x0, s1;
	[sflag:s0] =	ssyncset.done @!p0 $0x0  }
0x58: {  	[sflag:s0] =	ssyncadd.s32 @!p0 s1  }
0x59: {  	[bflag:$0x3] =	sbarrier.arrive $0xFFFF  }
0x5a: {  	_ =	shalt  }

// kernel: kernel.4.cloned.1.call-start
scs
__scs_entry_jumppad:
0x0: {  	(pc) =	sbr.rel $0x88, $3  }
0x1: {  	(tag) =	ssettag $0x0;
	lr =	simm.s32 $0x1  }
0x2: {  	[smem:$0x3F9C] =	sst lr;
	_ =	strace $0xD0000000  }
0x3: {  	_ = 	snop  }
0x4: {  	_ = 	snop  }
0x5: {  	_ = 	snop  }
0x6: {  	_ = 	snop  }
0x7: {  	_ = 	snop  }
__scs_overlays_trampoline_lowered:
0x8: {  	[smem:$0x3FAB] =	sst s0  }
0x9: {  	[smem:$0x3FAC] =	sst s1  }
0xa: {  	[smem:$0x3FAD] =	sst s2  }
0xb: {  	[smem:$0x3FAE] =	sst s3  }
0xc: {  	[smem:$0x3FAF] =	sst s4  }
0xd: {  	[smem:$0x3FB0] =	sst s5  }
0xe: {  	[smem:$0x3FB1] =	sst s6  }
0xf: {  	[smem:$0x3FB2] =	sst s7  }
0x10: {  	[smem:$0x3FB3] =	sst s8  }
0x11: {  	[smem:$0x3FB4] =	sst s9;
	s0 =	simm.s32 @!p0 $0x0  }
0x12: {  	s1 =	sld [smem:$0x3F9A];
	s0 =	simm.s32 @p0 $0x1  }
0x13: {  	[smem:$0x3FB5] =	sst s0;
	s0 =	simm.s32 @!p1 $0x0  }
0x14: {  	s2 =	sld [smem:$0x3F99];
	s0 =	simm.s32 @p1 $0x1  }
0x15: {  	[smem:$0x3FB6] =	sst s0;
	s0 =	simm.s32 @!p2 $0x0  }
0x16: {  	s3 =	sld [smem:$0x3FDB];
	s0 =	simm.s32 @p2 $0x1  }
0x17: {  	s4 =	simm.s32 $0x1BF5;
	[smem:$0x3FB8] =	sst s0  }
0x18: {  	s0 =	sld [smem:$0x3F9B];
	_ =	swait.ge [sflag:s4], $0x0  }
0x19: {  	s7 =	sld [smem:$0x3F9C]  }
0x1a: {  	s8 =	sadd.s32 $0xFFFFE003, lr  }
0x1b: {  	s9 =	sadd.s32 $0xFFFFFEF7, lr;
	s5 =	simm.s32 $0xFFFFFFFF;
	p2 =	slt.u32 s8, $0xFFFFF086  }
0x1c: {  	p1 =	slt.u32 s9, $0xF7A;
	s5 =	simm.s32 @!p2 $0x0  }
0x1d: {  	s5 =	simm.s32 @p1 $0x1;
	p0 =	seq.s32 s7, s2  }
0x1e: {  	s7 =	smul.u32 @!p0 $0xF7A, s2;
	p2 =	seq.s32 @!p0 s5, $0x0  }
0x1f: {  	s9 =	smul.u32 $0xF7A, s1;
	s8 =	simm.s32 @!p0 $0x1BF5;
	p2 =	por !p2, p0  }
0x20: {  	[sflag:s8] =	ssyncset.s32 @!p0 $0xFFFFF086;
	s6 =	sadd.s32 @!p0 s3, s7;
	s7 =	simm.s32 @!p0 $0x108  }
0x21: {  	s3 =	sadd.s32 s3, s9;
	s6 =	sadd.s32 @!p0 $0x88, s6;
	s7 =	simm.s32 @p2 $0x1082  }
0x22: {  	[simem:s7], [sflag:s8] =	dma.local @!p0 [hbm:s6], $0xF7A  }
0x23: {  	s9 =	sor.u32 $0xD0000000, s2;
	s6 =	simm.s32 $0x108;
	_ =	swait.ge @!p0 [sflag:s8], $0x0  }
0x24: {  	s3 =	sadd.s32 $0x88, s3;
	s6 =	simm.s32 @!p1 $0x1082;
	[sflag:s4] =	ssyncset.s32 $0xFFFFF086  }
0x25: {  	[simem:s6], [sflag:s4] =	dma.local [hbm:s3], $0xF7A  }
0x26: {  	[smem:$0x3F9C] =	sst s1;
	(tag) =	ssettag s2;
	_ =	strace s9  }
0x27: {  	s1 =	sld [smem:$0x3FAC]  }
0x28: {  	s2 =	sld [smem:$0x3FAD]  }
0x29: {  	s4 =	sld [smem:$0x3FAF]  }
0x2a: {  	p0 =	seq.s32 s5, $0x0;
	s5 =	sld [smem:$0x3FB0]  }
0x2b: {  	s6 =	sld [smem:$0x3FB1]  }
0x2c: {  	s7 =	sld [smem:$0x3FB2]  }
0x2d: {  	s3 =	simm.s32 $0x108;
	s8 =	sld [smem:$0x3FB3]  }
0x2e: {  	s3 =	simm.s32 @!p0 $0x1082;
	s9 =	sld [smem:$0x3FB4]  }
0x2f: {  	lr =	sadd.s32 s0, s3;
	s0 =	sld [smem:$0x3FAB]  }
0x30: {  	s3 =	sld [smem:$0x3FAE]  }
0x31: {  	[smem:$0x3FB7] =	sst s10  }
0x32: {  	s10 =	sld [smem:$0x3FB5];
	_ =	sdelay $0x3  }
0x33: {  	p0 =	seq.s32 s10, $0x1;
	s10 =	sld [smem:$0x3FB7];
	_ =	sdelay $0x3  }
0x34: {  	[smem:$0x3FB7] =	sst s10  }
0x35: {  	s10 =	sld [smem:$0x3FB6];
	_ =	sdelay $0x3  }
0x36: {  	p1 =	seq.s32 s10, $0x1;
	s10 =	sld [smem:$0x3FB7];
	_ =	sdelay $0x3  }
0x37: {  	[smem:$0x3FB7] =	sst s10  }
0x38: {  	s10 =	sld [smem:$0x3FB8]  }
0x39: {  	_ = 	snop;
	(pc) =	sbr.ind lr, $3  }
0x3a: {  	_ = 	snop  }
0x3b: {  	_ = 	snop  }
0x3c: {  	p2 =	seq.s32 s10, $0x1;
	s10 =	sld [smem:$0x3FB7]  }
0x3d: {  	_ =	shalt  }
0x3e: {  	_ =	shalt  }
0x3f: {  	_ =	shalt  }
0x40: {  	_ =	shalt  }
0x41: {  	_ =	shalt  }
0x42: {  	_ =	shalt  }
0x43: {  	_ =	shalt  }
0x44: {  	_ =	shalt  }
0x45: {  	_ =	shalt  }
0x46: {  	_ =	shalt  }
0x47: {  	_ =	shalt  }
0x48: {  	_ =	shalt  }
0x49: {  	_ =	shalt  }
0x4a: {  	_ =	shalt  }
0x4b: {  	_ =	shalt  }
0x4c: {  	_ =	shalt  }
0x4d: {  	_ =	shalt  }
0x4e: {  	_ =	shalt  }
0x4f: {  	_ =	shalt  }
0x50: {  	_ =	shalt  }
0x51: {  	_ =	shalt  }
0x52: {  	_ =	shalt  }
0x53: {  	_ =	shalt  }
0x54: {  	_ =	shalt  }
0x55: {  	_ =	shalt  }
0x56: {  	_ =	shalt  }
0x57: {  	_ =	shalt  }
0x58: {  	_ =	shalt  }
0x59: {  	_ =	shalt  }
0x5a: {  	_ =	shalt  }
0x5b: {  	_ =	shalt  }
0x5c: {  	_ =	shalt  }
0x5d: {  	_ =	shalt  }
0x5e: {  	_ =	shalt  }
0x5f: {  	_ =	shalt  }
0x60: {  	_ =	shalt  }
0x61: {  	_ =	shalt  }
0x62: {  	_ =	shalt  }
0x63: {  	_ =	shalt  }
0x64: {  	_ =	shalt  }
0x65: {  	_ =	shalt  }
0x66: {  	_ =	shalt  }
0x67: {  	_ =	shalt  }
0x68: {  	_ =	shalt  }
0x69: {  	_ =	shalt  }
0x6a: {  	_ =	shalt  }
0x6b: {  	_ =	shalt  }
0x6c: {  	_ =	shalt  }
0x6d: {  	_ =	shalt  }
0x6e: {  	_ =	shalt  }
0x6f: {  	_ =	shalt  }
0x70: {  	_ =	shalt  }
0x71: {  	_ =	shalt  }
0x72: {  	_ =	shalt  }
0x73: {  	_ =	shalt  }
0x74: {  	_ =	shalt  }
0x75: {  	_ =	shalt  }
0x76: {  	_ =	shalt  }
0x77: {  	_ =	shalt  }
0x78: {  	_ =	shalt  }
0x79: {  	_ =	shalt  }
0x7a: {  	_ =	shalt  }
0x7b: {  	_ =	shalt  }
0x7c: {  	_ =	shalt  }
0x7d: {  	_ =	shalt  }
0x7e: {  	_ =	shalt  }
0x7f: {  	_ =	shalt  }
0x80: {  	_ =	shalt  }
0x81: {  	_ =	shalt  }
0x82: {  	_ =	shalt  }
0x83: {  	_ =	shalt  }
0x84: {  	_ =	shalt  }
0x85: {  	_ =	shalt  }
0x86: {  	_ =	shalt  }
0x87: {  	_ =	shalt  }
.Lfunc_end0:
.L_simem_size_0:
called_computation.2_lowered:
.L_overlay_start_0:
0x88: {  	s2 =	sld [smem:$0x3FD9]  }
0x89: {  	s3 =	sld [smem:$0x3FFE];
	_ =	sdelay $0x1  }
0x8a: {  	s1 =	srdreg.scid  }
0x8b: {  	s0 =	sand.u32 $0x1, s1  }
0x8c: {  	s17 =	sshll.u32 s0, $0xA;
	s2 =	sadd.s32 s3, s2  }
0x8d: {  	s2 =	sadd.s32 s2, s17  }
0x8e: {  	[smem:$0x3FC3] =	sst s2  }
0x8f: {  	_ = 	snop  }
0x90: {  	(tm) =	ssettm $0x1  }
0x91: {  	s18 =	sld [smem:$0x3FFB];
	_ =	sdelay $0x3  }
0x92: {  	_ =	strace s18  }
0x93: {  	s2 =	sld [smem:$0x3FFC];
	_ =	sdelay $0x3  }
0x94: {  	_ =	strace s2  }
0x95: {  	s2 =	sld [smem:$0x3FFD];
	_ =	sdelay $0x3  }
0x96: {  	_ =	strace s2  }
0x97: {  	_ =	strace $0x8FFFFFFF  }
0x98: {  	s19 =	sld [smem:$0x3FDB];
	_ =	sdelay $0x1  }
0x99: {  	s20 =	simm.s32 $_scs_section_size  }
0x9a: {  	s4 =	simm.s32 $_size__tile_overlayer_lowered;
	s5 =	simm.s32 $_tile_overlayer_lowered  }
0x9b: {  	s6 =	simm.s32 $0x1BFF;
	s21 =	sshll.u32 s5, $0x1;
	s3 =	sadd.s32 s20, s19  }
0x9c: {  	s22 =	simm.s32 $0x0;
	s4 =	sshll.u32 s4, $0x1;
	s5 =	sadd.s32 s21, s3  }
0x9d: {  	[timem:s22], [sflag:s6] =	dma.local [hbm:s5], s4  }
0x9e: {  	_ =	swait.ge [sflag:s6], s4  }
0x9f: {  	s4 =	ssub.s32 $0x0, s4;
	[sflag:s6] =	ssyncset.done $0x0  }
0xa0: {  	[sflag:s6] =	ssyncadd.s32 s4;
	_ =	sdelay $0x1  }
0xa1: {  	s23 =	simm.s32 $0x1B8B  }
0xa2: {  	_ =	swait.ge [sflag:s23], $0x1  }
0xa3: {  	[sflag:s23] =	ssyncset.done $0x0  }
0xa4: {  	[sflag:s23] =	ssyncadd.s32 $0xFFFFFFFF  }
0xa5: {  	s4 =	sld [smem:$0x0]  }
0xa6: {  	s5 =	sand.u32 $0xFFFFFFFE, s1  }
0xa7: {  	p0 =	sne.s32 s1, s5  }
0xa8: {  	s5 =	sshll.u32 @p0 s5, $0xE  }
0xa9: {  	s5 =	sadd.s32 @p0 $0x11B8D, s5;
	s6 =	sshll.u32 @p0 s4, $0x11  }
0xaa: {  	s5 =	sor.u32 @p0 s6, s5  }
0xab: {  	[sflag:s5] =	ssyncadd.remote.s32 @p0 $0x1;
	_ =	sdelay $0x1  }
0xac: {  	s5 =	simm.s32 @p0 $0x1B8D  }
0xad: {  	_ =	swait.eq @p0 [sflag:s5], $0x1  }
0xae: {  	[sflag:s5] =	ssyncadd.s32 @p0 $0xFFFFFFFF  }
0xaf: {  	s6 =	sshll.u32 @!p0 s1, $0xE  }
0xb0: {  	s6 =	sor.u32 @!p0 $0x4000, s6;
	s5 =	simm.s32 @!p0 $0x1B8D  }
0xb1: {  	s4 =	sshll.u32 @!p0 s4, $0x11;
	s6 =	sadd.s32 @!p0 $0x11B8D, s6;
	_ =	swait.eq @!p0 [sflag:s5], $0x1  }
0xb2: {  	s4 =	sor.u32 @!p0 s4, s6;
	[sflag:s5] =	ssyncadd.s32 @!p0 $0xFFFFFFFF  }
0xb3: {  	s25 =	simm.s32 $0x1B8E;
	s24 =	sld [smem:$0x3FFE];
	[sflag:s4] =	ssyncadd.remote.s32 @!p0 $0x1  }
0xb4: {  	s26 =	simm.s32 $execute0_lowered;
	[smem:$0x3FD2] =	sst s25  }
0xb5: {  	s5 =	sshll.u32 s26, $0x1;
	_ =	strace $0x8000004C;
	[dreg:$0x1] =	wrdreg $0xFFFFFFFF  }
0xb6: {  	s28 =	simm.s32 $_size_execute0_lowered;
	s3 =	sadd.s32 s3, s5;
	[dreg:$0x0] =	wrdreg $0x0  }
0xb7: {  	s5 =	sshll.u32 s28, $0x1;
	[dreg:$0x2] =	wrdreg s3  }
0xb8: {  	[dreg:$0x3] =	wrdreg s5  }
0xb9: {  	[dreg:$0x4] =	wrdreg $0xC0  }
0xba: {  	_ =	task [dreg:s22], $0x5FFFF  }
0xbb: {  	[dreg:$0x1] =	wrdreg $0xFFFFFFFF  }
0xbc: {  	[dreg:$0x0] =	wrdreg $0x60  }
0xbd: {  	[dreg:$0x2] =	wrdreg s24  }
0xbe: {  	[dreg:$0x3] =	wrdreg $0xA  }
0xbf: {  	_ =	task.clear_ibuf [dreg:s22], $0x4FFFF;
	_ =	strace $0x9000004C  }
0xc0: {  	s29 =	simm.s32 $0xA;
	_ =	strace $0x8000004E  }
0xc1: {  	_ =	swait.ge [sflag:s29], $0x1  }
0xc2: {  	[sflag:s29] =	ssyncadd.s32 $0xFFFFFFFF  }
0xc3: {  	_ =	strace $0x9000004E  }
0xc4: {  	_ =	sfence  }
0xc5: {  	s30 =	sld [smem:$0x0];
	_ =	sdelay $0x2  }
0xc6: {  	s31 =	sshll.u32 s1, $0xD;
	s1 =	sshrl.u32 s1, $0x2  }
0xc7: {  	s4 =	sand.u32 $0x4000, s31;
	s1 =	sadd.s32 s1, s30  }
0xc8: {  	s0 =	sor.u32 s4, s0;
	s1 =	sshll.u32 s1, $0x11  }
0xc9: {  	s0 =	sor.u32 s1, s0  }
0xca: {  	s0 =	sadd.s32 $0x8F2B, s0  }
0xcb: {  	[sflag:s0] =	ssyncadd.remote.s32 $0x1  }
0xcc: {  	_ =	sfence.sel $0xFFFF  }
0xcd: {  	[dreg:$0x0] =	wrdreg $0xFFFFFFFF;
	(pc) =	sbr.abs _section_cstart, $3  }
0xce: {  	[dreg:$0x1] =	wrdreg $0xFFFFFFFF  }
0xcf: {  	_ =	task.clear_ibuf [dreg:s22], $0x2FFFF;
	_ =	strace $0x9FFFFFFF  }
0xd0: {  	(tm) =	ssettm $0x7FFFFFFF  }
0xd1: {  	_ =	shalt  }
tec
execute0_lowered:
.L_overlay_start_1:
0x0: {  	(tag) =	ssettag $0x1  }
0x1: {  	s9 =	rddreg [dreg:$0x0]  }
0x2: {  	s0 =	rddreg [dreg:$0x1];
	s1 =	simm.s32 $0x0;
	s3 =	srdreg.scid  }
0x3: {  	s2 =	stileid.u32;
	s15 =	simm.s32 $0x0;
	[smem:$0x7FF] =	sst s1  }
0x4: {  	s8 =	sadd.s32 $0x608A00, s9;
	s3 =	sand.u32 $0x1, s3;
	s5 =	sshll.u32 s2, $0x2  }
0x5: {  	s11 =	sadd.s32 $0x628A00, s9;
	s4 =	ssub.s32 $0x2, s3;
	s6 =	sshll.u32 s3, $0x1  }
0x6: {  	_ =	strace $0x8000004D;
	s7 =	sshrl.u32 s4, $0x1;
	s10 =	sor.u32 s6, s5  }
0x7: {  	s3 =	sadd.s32 $0x600800, s9;
	s12 =	ssub.s32 s4, s7;
	s30 =	sshll.u32 s10, $0x1  }
0x8: {  	s5 =	sshll.u32 s10, $0xB;
	s6 =	sshll.u32 s10, $0xF;
	s31 =	sor.u32 $0x1, s10  }
.Ltmp0:
0x9: {  	s4 =	sadd.s32 s11, s30;
	s5 =	sadd.s32 s8, s5;
	(pc) =	sbr.rel .LBB2_1-.Ltmp0, $4  }
0xa: {  	s6 =	sadd.s32 s9, s6;
	s10 =	sshll.u32 s31, $0x1;
	s13 =	sshll.u32 s31, $0xB  }
0xb: {  	s14 =	sshll.u32 s31, $0xF;
	s7 =	sadd.s32 s11, s10;
	s8 =	sadd.s32 s8, s13  }
0xc: {  	s9 =	sadd.s32 s9, s14;
	s10 =	smax.u32 s12, $0x1;
	s11 =	simm.s32 $0x80  }
0xd: {  	s12 =	simm.s32 $0x2;
	s13 =	simm.s32 $0x90;
	s14 =	simm.s32 $0x1  }
.LBB2_10:
0xe: {  	s17 =	simm.s32 $0x0  }
.LBB2_14:
0xf: {  	s18 =	sadd.s32 s20, s8;
	[sflag:s12] =	ssyncadd.s32 @p0 $0xFFFFF800  }
0x10: {  	[tilespmem:s1], [sflag:$0x2] =	stream.linear.gather [hbm4b:s18+s1], $0x80, $0x38;
	[tilespmem:$0x890] =	vst v63  }
0x11: {  	_ =	swait.ge [sflag:s12], $0x80  }
0x12: {  	[sflag:s12] =	ssyncset.done $0x0  }
0x13: {  	s17 =	sadd.s32 @p0 $0x100, s17;
	[sflag:s12] =	ssyncadd.s32 $0xFFFFFF80  }
0x14: {  	[tilespmem:s13], [sflag:$0x1] =	stream.indirect.gather [hbm4b:s3+s11], $0x10, s1, s11, $0xb8;
	[tilespmem:$0x890] =	vst v63  }
0x15: {  	s16 =	smov.u32 @p0 s17;
	_ =	swait.ge [sflag:s14], $0x800  }
0x16: {  	s16 =	sand.u32 $0x1FFFFF00, s16;
	[sflag:s14] =	ssyncset.done $0x0  }
0x17: {  	s16 =	sadd.s32 s16, s9;
	[sflag:s14] =	ssyncadd.s32 $0xFFFFF800  }
0x18: {  	[hbm4b:s16+s1] =	stream.linear.scatter [tilespmem:s13], [sflag:$0x2], $0x800, $0x38;
	[tilespmem:$0x890] =	vst v63  }
0x19: {  	_ =	swait.ge [sflag:s12], $0x800  }
0x1a: {  	[sflag:s12] =	ssyncset.done $0x0  }
0x1b: {  	[sflag:s12] =	ssyncadd.s32 $0xFFFFF800  }
.LBB2_15:
0x1c: {  	s15 =	sadd.s32 $0x1, s15  }
0x1d: {  	p0 =	sne.s32 s15, s10  }
.Ltmp1:
0x1e: {  	_ = 	snop;
	(pc) =	sbr.rel @!p0 .LBB2_16-.Ltmp1, $1  }
0x1f: {  	_ =	sdelay $0x3  }
.LBB2_1:
0x20: {  	[tilespmem:s11], [sflag:$0x2] =	stream.linear.gather [hbm4b:s4+s1], $0x10, $0x38;
	[tilespmem:$0x890] =	vst v63  }
0x21: {  	_ =	swait.ge [sflag:s12], $0x10  }
0x22: {  	[sflag:s12] =	ssyncset.done $0x0  }
0x23: {  	[sflag:s12] =	ssyncadd.s32 $0xFFFFFFF0  }
0x24: {  	v0 =	vld [tilespmem:$0x80];
	_ =	sdelay $0x4  }
0x25: {  	(v2sf) =	vpush v0, $0x0;
	_ =	sdelay $0xe  }
0x26: {  	s17 =	spop (v2sf)  }
0x27: {  	p0 =	slt.s32 s17, $0x1  }
.Ltmp2:
0x28: {  	_ = 	snop;
	(pc) =	sbr.rel @p0 .LBB2_8-.Ltmp2, $1  }
0x29: {  	_ =	sdelay $0x3  }
0x2a: {  	p1 =	sne.s32 s17, $0x1  }
.Ltmp3:
0x2b: {  	_ = 	snop;
	(pc) =	sbr.rel @!p1 .LBB2_3-.Ltmp3, $3  }
0x2c: {  	_ =	sdelay $0x1  }
0x2d: {  	s16 =	simm.s32 $0x0  }
0x2e: {  	s17 =	sadd.s32 $0xFFFFFFFF, s17;
	p0 =	por $0x0, $0x0;
	s20 =	sand.u32 $0x1FFFFFF0, s16  }
0x2f: {  	s18 =	sadd.s32 s20, s5  }
0x30: {  	[tilespmem:s1], [sflag:$0x2] =	stream.linear.gather [hbm4b:s18+s1], $0x80, $0x38;
	[tilespmem:$0x890] =	vst v63  }
0x31: {  	_ =	swait.ge [sflag:s12], $0x80  }
0x32: {  	[sflag:s12] =	ssyncset.done $0x0  }
0x33: {  	[sflag:s12] =	ssyncadd.s32 $0xFFFFFF80  }
0x34: {  	[tilespmem:s13], [sflag:$0x1] =	stream.indirect.gather [hbm4b:s3+s11], $0x10, s1, s11, $0xb8;
	[tilespmem:$0x890] =	vst v63  }
0x35: {  	p1 =	sne.s32 s17, $0x1;
	_ =	swait.ge [sflag:s14], $0x800  }
.Ltmp4:
0x36: {  	s31 =	sand.u32 $0x1FFFFF00, s16;
	[sflag:s14] =	ssyncset.done $0x0;
	(pc) =	sbr.rel @!p1 .LBB2_5-.Ltmp4, $4  }
0x37: {  	s19 =	sadd.s32 $0xFFFFFFFF, s17;
	s18 =	sadd.s32 s31, s6;
	[sflag:s14] =	ssyncadd.s32 $0xFFFFF800  }
0x38: {  	[hbm4b:s18+s1] =	stream.linear.scatter [tilespmem:s13], [sflag:$0x2], $0x800, $0x38;
	[tilespmem:$0x890] =	vst v63  }
0x39: {  	p0 =	por $0x1, $0x1;
	s18 =	simm.s32 $0x10;
	_ =	swait.ge [sflag:s12], $0x800  }
0x3a: {  	s17 =	simm.s32 $0x0;
	s20 =	sand.u32 $0x1FFFFFF0, s18;
	[sflag:s12] =	ssyncset.done $0x0  }
.LBB2_6:
0x3b: {  	s20 =	sadd.s32 s20, s5;
	[sflag:s12] =	ssyncadd.s32 $0xFFFFF800;
	s17 =	sadd.s32 $0x100, s17  }
0x3c: {  	[tilespmem:s1], [sflag:$0x2] =	stream.linear.gather [hbm4b:s20+s1], $0x80, $0x38;
	[tilespmem:$0x890] =	vst v63  }
0x3d: {  	p1 =	sne.s32 s19, $0x1;
	s19 =	sadd.s32 $0xFFFFFFFF, s19;
	_ =	swait.ge [sflag:s12], $0x80  }
0x3e: {  	[sflag:s12] =	ssyncset.done $0x0  }
0x3f: {  	[sflag:s12] =	ssyncadd.s32 $0xFFFFFF80  }
0x40: {  	[tilespmem:s13], [sflag:$0x1] =	stream.indirect.gather [hbm4b:s3+s11], $0x10, s1, s11, $0xb8;
	[tilespmem:$0x890] =	vst v63  }
0x41: {  	_ =	swait.ge [sflag:s14], $0x800  }
.Ltmp5:
0x42: {  	s20 =	sand.u32 $0x1FFFFF00, s17;
	[sflag:s14] =	ssyncset.done $0x0;
	(pc) =	sbr.rel @p1 .LBB2_6-.Ltmp5, $4  }
0x43: {  	s20 =	sadd.s32 s20, s6;
	[sflag:s14] =	ssyncadd.s32 $0xFFFFF800  }
0x44: {  	[hbm4b:s20+s1] =	stream.linear.scatter [tilespmem:s13], [sflag:$0x2], $0x800, $0x38;
	[tilespmem:$0x890] =	vst v63  }
0x45: {  	s18 =	sadd.s32 $0x10, s18;
	_ =	swait.ge [sflag:s12], $0x800  }
0x46: {  	s20 =	sand.u32 $0x1FFFFFF0, s18;
	[sflag:s12] =	ssyncset.done $0x0  }
.LBB2_7:
0x47: {  	s18 =	sadd.s32 s20, s5;
	[sflag:s12] =	ssyncadd.s32 @p0 $0xFFFFF800  }
0x48: {  	[tilespmem:s1], [sflag:$0x2] =	stream.linear.gather [hbm4b:s18+s1], $0x80, $0x38;
	[tilespmem:$0x890] =	vst v63  }
0x49: {  	_ =	swait.ge [sflag:s12], $0x80  }
0x4a: {  	[sflag:s12] =	ssyncset.done $0x0  }
0x4b: {  	s17 =	sadd.s32 @p0 $0x100, s17;
	[sflag:s12] =	ssyncadd.s32 $0xFFFFFF80  }
0x4c: {  	[tilespmem:s13], [sflag:$0x1] =	stream.indirect.gather [hbm4b:s3+s11], $0x10, s1, s11, $0xb8;
	[tilespmem:$0x890] =	vst v63  }
0x4d: {  	s16 =	smov.u32 @p0 s17;
	_ =	swait.ge [sflag:s14], $0x800  }
0x4e: {  	s16 =	sand.u32 $0x1FFFFF00, s16;
	[sflag:s14] =	ssyncset.done $0x0  }
0x4f: {  	s16 =	sadd.s32 s16, s6;
	[sflag:s14] =	ssyncadd.s32 $0xFFFFF800  }
0x50: {  	[hbm4b:s16+s1] =	stream.linear.scatter [tilespmem:s13], [sflag:$0x2], $0x800, $0x38;
	[tilespmem:$0x890] =	vst v63  }
0x51: {  	_ =	swait.ge [sflag:s12], $0x800  }
0x52: {  	[sflag:s12] =	ssyncset.done $0x0  }
0x53: {  	[sflag:s12] =	ssyncadd.s32 $0xFFFFF800  }
.LBB2_8:
0x54: {  	[tilespmem:s11], [sflag:$0x2] =	stream.linear.gather [hbm4b:s7+s1], $0x10, $0x38;
	[tilespmem:$0x890] =	vst v63  }
0x55: {  	_ =	swait.ge [sflag:s12], $0x10  }
0x56: {  	[sflag:s12] =	ssyncset.done $0x0  }
0x57: {  	[sflag:s12] =	ssyncadd.s32 $0xFFFFFFF0  }
0x58: {  	v0 =	vld [tilespmem:$0x80];
	_ =	sdelay $0x4  }
0x59: {  	(v2sf) =	vpush v0, $0x0;
	_ =	sdelay $0xe  }
0x5a: {  	s17 =	spop (v2sf)  }
0x5b: {  	p0 =	slt.s32 s17, $0x1  }
.Ltmp6:
0x5c: {  	_ = 	snop;
	(pc) =	sbr.rel @p0 .LBB2_15-.Ltmp6, $1  }
0x5d: {  	_ =	sdelay $0x3  }
0x5e: {  	p1 =	sne.s32 s17, $0x1  }
.Ltmp7:
0x5f: {  	_ = 	snop;
	(pc) =	sbr.rel @!p1 .LBB2_10-.Ltmp7, $3  }
0x60: {  	_ =	sdelay $0x1  }
0x61: {  	s16 =	simm.s32 $0x0  }
0x62: {  	s17 =	sadd.s32 $0xFFFFFFFF, s17;
	p0 =	por $0x0, $0x0;
	s20 =	sand.u32 $0x1FFFFFF0, s16  }
0x63: {  	s18 =	sadd.s32 s20, s8  }
0x64: {  	[tilespmem:s1], [sflag:$0x2] =	stream.linear.gather [hbm4b:s18+s1], $0x80, $0x38;
	[tilespmem:$0x890] =	vst v63  }
0x65: {  	_ =	swait.ge [sflag:s12], $0x80  }
0x66: {  	[sflag:s12] =	ssyncset.done $0x0  }
0x67: {  	[sflag:s12] =	ssyncadd.s32 $0xFFFFFF80  }
0x68: {  	[tilespmem:s13], [sflag:$0x1] =	stream.indirect.gather [hbm4b:s3+s11], $0x10, s1, s11, $0xb8;
	[tilespmem:$0x890] =	vst v63  }
0x69: {  	p1 =	sne.s32 s17, $0x1;
	_ =	swait.ge [sflag:s14], $0x800  }
.Ltmp8:
0x6a: {  	s31 =	sand.u32 $0x1FFFFF00, s16;
	[sflag:s14] =	ssyncset.done $0x0;
	(pc) =	sbr.rel @!p1 .LBB2_12-.Ltmp8, $4  }
0x6b: {  	s19 =	sadd.s32 $0xFFFFFFFF, s17;
	s18 =	sadd.s32 s31, s9;
	[sflag:s14] =	ssyncadd.s32 $0xFFFFF800  }
0x6c: {  	[hbm4b:s18+s1] =	stream.linear.scatter [tilespmem:s13], [sflag:$0x2], $0x800, $0x38;
	[tilespmem:$0x890] =	vst v63  }
0x6d: {  	p0 =	por $0x1, $0x1;
	s18 =	simm.s32 $0x10;
	_ =	swait.ge [sflag:s12], $0x800  }
0x6e: {  	s17 =	simm.s32 $0x0;
	s20 =	sand.u32 $0x1FFFFFF0, s18;
	[sflag:s12] =	ssyncset.done $0x0  }
.LBB2_13:
0x6f: {  	s20 =	sadd.s32 s20, s8;
	[sflag:s12] =	ssyncadd.s32 $0xFFFFF800;
	s17 =	sadd.s32 $0x100, s17  }
0x70: {  	[tilespmem:s1], [sflag:$0x2] =	stream.linear.gather [hbm4b:s20+s1], $0x80, $0x38;
	[tilespmem:$0x890] =	vst v63  }
0x71: {  	p1 =	sne.s32 s19, $0x1;
	s19 =	sadd.s32 $0xFFFFFFFF, s19;
	_ =	swait.ge [sflag:s12], $0x80  }
0x72: {  	[sflag:s12] =	ssyncset.done $0x0  }
0x73: {  	[sflag:s12] =	ssyncadd.s32 $0xFFFFFF80  }
0x74: {  	[tilespmem:s13], [sflag:$0x1] =	stream.indirect.gather [hbm4b:s3+s11], $0x10, s1, s11, $0xb8;
	[tilespmem:$0x890] =	vst v63  }
0x75: {  	_ =	swait.ge [sflag:s14], $0x800  }
.Ltmp9:
0x76: {  	s20 =	sand.u32 $0x1FFFFF00, s17;
	[sflag:s14] =	ssyncset.done $0x0;
	(pc) =	sbr.rel @p1 .LBB2_13-.Ltmp9, $4  }
0x77: {  	s20 =	sadd.s32 s20, s9;
	[sflag:s14] =	ssyncadd.s32 $0xFFFFF800  }
0x78: {  	[hbm4b:s20+s1] =	stream.linear.scatter [tilespmem:s13], [sflag:$0x2], $0x800, $0x38;
	[tilespmem:$0x890] =	vst v63  }
0x79: {  	s18 =	sadd.s32 $0x10, s18;
	_ =	swait.ge [sflag:s12], $0x800  }
0x7a: {  	s20 =	sand.u32 $0x1FFFFFF0, s18;
	[sflag:s12] =	ssyncset.done $0x0  }
.Ltmp10:
0x7b: {  	_ = 	snop;
	(pc) =	sbr.rel .LBB2_14-.Ltmp10, $1  }
0x7c: {  	_ =	sdelay $0x3  }
.LBB2_3:
.Ltmp11:
0x7d: {  	(pc) =	sbr.rel .LBB2_7-.Ltmp11, $2  }
0x7e: {  	_ =	sdelay $0x2  }
0x7f: {  	s17 =	simm.s32 $0x0  }
.LBB2_5:
.Ltmp12:
0x80: {  	(pc) =	sbr.rel .LBB2_7-.Ltmp12, $2  }
0x81: {  	_ =	sdelay $0x2  }
0x82: {  	s17 =	simm.s32 $0x0  }
.LBB2_12:
.Ltmp13:
0x83: {  	(pc) =	sbr.rel .LBB2_14-.Ltmp13, $2  }
0x84: {  	_ =	sdelay $0x2  }
0x85: {  	s17 =	simm.s32 $0x0  }
.LBB2_16:
0x86: {  	_ =	sfence.sel $0x180000  }
0x87: {  	[bflag:$0x0] =	sbarrier.arrive $0xFFFF  }
0x88: {  	p0 =	sne.s32 s2, $0x0;
	_ =	strace $0x9000004D  }
0x89: {  	s0 =	sadd.s32 @!p0 $0x100000, s0;
	[bflag:$0x2] =	sbarrier.arrive $0xFFFF  }
0x8a: {  	[sflag:s0] =	ssyncadd.tile.s32 @!p0 $0x1;
	_ =	shalt  }
.Lfunc_end2:
_tile_overlayer_lowered:
.L_overlay_start_2:
0x8b: {  	(tag) =	ssettag $0x2  }
0x8c: {  	s0 =	rddreg [dreg:$0x0];
	s2 =	stileid.u32  }
0x8d: {  	s1 =	rddreg [dreg:$0x1];
	p0 =	sne.s32 s2, $0x0  }
0x8e: {  	s3 =	rddreg [dreg:$0x2];
	[bflag:$0x3] =	sbarrier.arrive $0xFFFF;
	s2 =	simm.s32 @!p0 $0x1C02  }
0x8f: {  	[timem:s3], [sflag:s2] =	dma.local @!p0 [hbm:s0], s1  }
0x90: {  	s0 =	simm.s32 @!p0 $0x2  }
0x91: {  	_ =	swait.ge @!p0 [sflag:s0], s1  }
0x92: {  	s1 =	ssub.s32 @!p0 $0x0, s1;
	[sflag:s0] =	ssyncset.done @!p0 $0x0  }
0x93: {  	[sflag:s0] =	ssyncadd.s32 @!p0 s1  }
0x94: {  	[bflag:$0x3] =	sbarrier.arrive $0xFFFF  }
0x95: {  	_ =	shalt  }

// kernel: scatter_offload_async_start
scs
__scs_entry_jumppad:
0x0: {  	(pc) =	sbr.rel $0x88, $3  }
0x1: {  	(tag) =	ssettag $0x0;
	lr =	simm.s32 $0x1  }
0x2: {  	[smem:$0x3F9C] =	sst lr;
	_ =	strace $0xD0000000  }
0x3: {  	_ = 	snop  }
0x4: {  	_ = 	snop  }
0x5: {  	_ = 	snop  }
0x6: {  	_ = 	snop  }
0x7: {  	_ = 	snop  }
__scs_overlays_trampoline_lowered:
0x8: {  	[smem:$0x3FAB] =	sst s0  }
0x9: {  	[smem:$0x3FAC] =	sst s1  }
0xa: {  	[smem:$0x3FAD] =	sst s2  }
0xb: {  	[smem:$0x3FAE] =	sst s3  }
0xc: {  	[smem:$0x3FAF] =	sst s4  }
0xd: {  	[smem:$0x3FB0] =	sst s5  }
0xe: {  	[smem:$0x3FB1] =	sst s6  }
0xf: {  	[smem:$0x3FB2] =	sst s7  }
0x10: {  	[smem:$0x3FB3] =	sst s8  }
0x11: {  	[smem:$0x3FB4] =	sst s9;
	s0 =	simm.s32 @!p0 $0x0  }
0x12: {  	s1 =	sld [smem:$0x3F9A];
	s0 =	simm.s32 @p0 $0x1  }
0x13: {  	[smem:$0x3FB5] =	sst s0;
	s0 =	simm.s32 @!p1 $0x0  }
0x14: {  	s2 =	sld [smem:$0x3F99];
	s0 =	simm.s32 @p1 $0x1  }
0x15: {  	[smem:$0x3FB6] =	sst s0;
	s0 =	simm.s32 @!p2 $0x0  }
0x16: {  	s3 =	sld [smem:$0x3FDB];
	s0 =	simm.s32 @p2 $0x1  }
0x17: {  	s4 =	simm.s32 $0x1BF5;
	[smem:$0x3FB8] =	sst s0  }
0x18: {  	s0 =	sld [smem:$0x3F9B];
	_ =	swait.ge [sflag:s4], $0x0  }
0x19: {  	s7 =	sld [smem:$0x3F9C]  }
0x1a: {  	s8 =	sadd.s32 $0xFFFFE003, lr  }
0x1b: {  	s9 =	sadd.s32 $0xFFFFFEF7, lr;
	s5 =	simm.s32 $0xFFFFFFFF;
	p2 =	slt.u32 s8, $0xFFFFF086  }
0x1c: {  	p1 =	slt.u32 s9, $0xF7A;
	s5 =	simm.s32 @!p2 $0x0  }
0x1d: {  	s5 =	simm.s32 @p1 $0x1;
	p0 =	seq.s32 s7, s2  }
0x1e: {  	s7 =	smul.u32 @!p0 $0xF7A, s2;
	p2 =	seq.s32 @!p0 s5, $0x0  }
0x1f: {  	s9 =	smul.u32 $0xF7A, s1;
	s8 =	simm.s32 @!p0 $0x1BF5;
	p2 =	por !p2, p0  }
0x20: {  	[sflag:s8] =	ssyncset.s32 @!p0 $0xFFFFF086;
	s6 =	sadd.s32 @!p0 s3, s7;
	s7 =	simm.s32 @!p0 $0x108  }
0x21: {  	s3 =	sadd.s32 s3, s9;
	s6 =	sadd.s32 @!p0 $0x88, s6;
	s7 =	simm.s32 @p2 $0x1082  }
0x22: {  	[simem:s7], [sflag:s8] =	dma.local @!p0 [hbm:s6], $0xF7A  }
0x23: {  	s9 =	sor.u32 $0xD0000000, s2;
	s6 =	simm.s32 $0x108;
	_ =	swait.ge @!p0 [sflag:s8], $0x0  }
0x24: {  	s3 =	sadd.s32 $0x88, s3;
	s6 =	simm.s32 @!p1 $0x1082;
	[sflag:s4] =	ssyncset.s32 $0xFFFFF086  }
0x25: {  	[simem:s6], [sflag:s4] =	dma.local [hbm:s3], $0xF7A  }
0x26: {  	[smem:$0x3F9C] =	sst s1;
	(tag) =	ssettag s2;
	_ =	strace s9  }
0x27: {  	s1 =	sld [smem:$0x3FAC]  }
0x28: {  	s2 =	sld [smem:$0x3FAD]  }
0x29: {  	s4 =	sld [smem:$0x3FAF]  }
0x2a: {  	p0 =	seq.s32 s5, $0x0;
	s5 =	sld [smem:$0x3FB0]  }
0x2b: {  	s6 =	sld [smem:$0x3FB1]  }
0x2c: {  	s7 =	sld [smem:$0x3FB2]  }
0x2d: {  	s3 =	simm.s32 $0x108;
	s8 =	sld [smem:$0x3FB3]  }
0x2e: {  	s3 =	simm.s32 @!p0 $0x1082;
	s9 =	sld [smem:$0x3FB4]  }
0x2f: {  	lr =	sadd.s32 s0, s3;
	s0 =	sld [smem:$0x3FAB]  }
0x30: {  	s3 =	sld [smem:$0x3FAE]  }
0x31: {  	[smem:$0x3FB7] =	sst s10  }
0x32: {  	s10 =	sld [smem:$0x3FB5];
	_ =	sdelay $0x3  }
0x33: {  	p0 =	seq.s32 s10, $0x1;
	s10 =	sld [smem:$0x3FB7];
	_ =	sdelay $0x3  }
0x34: {  	[smem:$0x3FB7] =	sst s10  }
0x35: {  	s10 =	sld [smem:$0x3FB6];
	_ =	sdelay $0x3  }
0x36: {  	p1 =	seq.s32 s10, $0x1;
	s10 =	sld [smem:$0x3FB7];
	_ =	sdelay $0x3  }
0x37: {  	[smem:$0x3FB7] =	sst s10  }
0x38: {  	s10 =	sld [smem:$0x3FB8]  }
0x39: {  	_ = 	snop;
	(pc) =	sbr.ind lr, $3  }
0x3a: {  	_ = 	snop  }
0x3b: {  	_ = 	snop  }
0x3c: {  	p2 =	seq.s32 s10, $0x1;
	s10 =	sld [smem:$0x3FB7]  }
0x3d: {  	_ =	shalt  }
0x3e: {  	_ =	shalt  }
0x3f: {  	_ =	shalt  }
0x40: {  	_ =	shalt  }
0x41: {  	_ =	shalt  }
0x42: {  	_ =	shalt  }
0x43: {  	_ =	shalt  }
0x44: {  	_ =	shalt  }
0x45: {  	_ =	shalt  }
0x46: {  	_ =	shalt  }
0x47: {  	_ =	shalt  }
0x48: {  	_ =	shalt  }
0x49: {  	_ =	shalt  }
0x4a: {  	_ =	shalt  }
0x4b: {  	_ =	shalt  }
0x4c: {  	_ =	shalt  }
0x4d: {  	_ =	shalt  }
0x4e: {  	_ =	shalt  }
0x4f: {  	_ =	shalt  }
0x50: {  	_ =	shalt  }
0x51: {  	_ =	shalt  }
0x52: {  	_ =	shalt  }
0x53: {  	_ =	shalt  }
0x54: {  	_ =	shalt  }
0x55: {  	_ =	shalt  }
0x56: {  	_ =	shalt  }
0x57: {  	_ =	shalt  }
0x58: {  	_ =	shalt  }
0x59: {  	_ =	shalt  }
0x5a: {  	_ =	shalt  }
0x5b: {  	_ =	shalt  }
0x5c: {  	_ =	shalt  }
0x5d: {  	_ =	shalt  }
0x5e: {  	_ =	shalt  }
0x5f: {  	_ =	shalt  }
0x60: {  	_ =	shalt  }
0x61: {  	_ =	shalt  }
0x62: {  	_ =	shalt  }
0x63: {  	_ =	shalt  }
0x64: {  	_ =	shalt  }
0x65: {  	_ =	shalt  }
0x66: {  	_ =	shalt  }
0x67: {  	_ =	shalt  }
0x68: {  	_ =	shalt  }
0x69: {  	_ =	shalt  }
0x6a: {  	_ =	shalt  }
0x6b: {  	_ =	shalt  }
0x6c: {  	_ =	shalt  }
0x6d: {  	_ =	shalt  }
0x6e: {  	_ =	shalt  }
0x6f: {  	_ =	shalt  }
0x70: {  	_ =	shalt  }
0x71: {  	_ =	shalt  }
0x72: {  	_ =	shalt  }
0x73: {  	_ =	shalt  }
0x74: {  	_ =	shalt  }
0x75: {  	_ =	shalt  }
0x76: {  	_ =	shalt  }
0x77: {  	_ =	shalt  }
0x78: {  	_ =	shalt  }
0x79: {  	_ =	shalt  }
0x7a: {  	_ =	shalt  }
0x7b: {  	_ =	shalt  }
0x7c: {  	_ =	shalt  }
0x7d: {  	_ =	shalt  }
0x7e: {  	_ =	shalt  }
0x7f: {  	_ =	shalt  }
0x80: {  	_ =	shalt  }
0x81: {  	_ =	shalt  }
0x82: {  	_ =	shalt  }
0x83: {  	_ =	shalt  }
0x84: {  	_ =	shalt  }
0x85: {  	_ =	shalt  }
0x86: {  	_ =	shalt  }
0x87: {  	_ =	shalt  }
.Lfunc_end0:
.L_simem_size_0:
called_computation_lowered:
.L_overlay_start_0:
0x88: {  	s0 =	sld [smem:$0x3FD9]  }
0x89: {  	s1 =	sld [smem:$0x3FFE];
	_ =	sdelay $0x3  }
0x8a: {  	s0 =	sadd.s32 s1, s0  }
0x8b: {  	[smem:$0x3FC3] =	sst s0  }
0x8c: {  	_ = 	snop  }
0x8d: {  	(tm) =	ssettm $0x1  }
0x8e: {  	s15 =	sld [smem:$0x3FFB];
	_ =	sdelay $0x3  }
0x8f: {  	_ =	strace s15  }
0x90: {  	s0 =	sld [smem:$0x3FFC];
	_ =	sdelay $0x3  }
0x91: {  	_ =	strace s0  }
0x92: {  	s0 =	sld [smem:$0x3FFD];
	_ =	sdelay $0x3  }
0x93: {  	_ =	strace s0  }
0x94: {  	_ =	strace $0x8FFFFFFF  }
0x95: {  	s16 =	sld [smem:$0x3FDB];
	_ =	sdelay $0x1  }
0x96: {  	s17 =	simm.s32 $_scs_section_size  }
0x97: {  	s2 =	simm.s32 $_size__tile_overlayer_lowered;
	s3 =	simm.s32 $_tile_overlayer_lowered  }
0x98: {  	s20 =	simm.s32 $0x1BFF;
	s19 =	sshll.u32 s3, $0x1;
	s0 =	sadd.s32 s17, s16  }
0x99: {  	s4 =	simm.s32 $0x0;
	s18 =	sshll.u32 s2, $0x1;
	s2 =	sadd.s32 s19, s0  }
0x9a: {  	[timem:s4], [sflag:s20] =	dma.local [hbm:s2], s18  }
0x9b: {  	_ =	swait.ge [sflag:s20], s18  }
0x9c: {  	s1 =	ssub.s32 $0x0, s18;
	[sflag:s20] =	ssyncset.done $0x0  }
0x9d: {  	[sflag:s20] =	ssyncadd.s32 s1;
	_ =	sdelay $0x1  }
0x9e: {  	s21 =	simm.s32 $0x1B8B  }
0x9f: {  	_ =	swait.ge [sflag:s21], $0x1  }
0xa0: {  	[sflag:s21] =	ssyncset.done $0x0  }
0xa1: {  	s23 =	simm.s32 $0x1B8E;
	s22 =	sld [smem:$0x3FFE];
	[sflag:s21] =	ssyncadd.s32 $0xFFFFFFFF  }
0xa2: {  	s24 =	simm.s32 $execute0_lowered;
	[smem:$0x3FD2] =	sst s23  }
0xa3: {  	s2 =	sshll.u32 s24, $0x1;
	_ =	strace $0x80000049;
	[dreg:$0x1] =	wrdreg $0xFFFFFFFF  }
0xa4: {  	s25 =	simm.s32 $_size_execute0_lowered;
	s0 =	sadd.s32 s0, s2;
	[dreg:$0x0] =	wrdreg $0x0  }
0xa5: {  	s2 =	sshll.u32 s25, $0x1;
	[dreg:$0x2] =	wrdreg s0  }
0xa6: {  	[dreg:$0x3] =	wrdreg s2  }
0xa7: {  	[dreg:$0x4] =	wrdreg $0xC0  }
0xa8: {  	_ =	task [dreg:s4], $0x5FFFF  }
0xa9: {  	[dreg:$0x1] =	wrdreg $0xFFFFFFFF  }
0xaa: {  	[dreg:$0x0] =	wrdreg $0x60  }
0xab: {  	[dreg:$0x2] =	wrdreg s22  }
0xac: {  	[dreg:$0x3] =	wrdreg $0x9  }
0xad: {  	_ =	task.clear_ibuf [dreg:s4], $0x4FFFF;
	_ =	strace $0x90000049  }
0xae: {  	s26 =	simm.s32 $0x9;
	_ =	strace $0x8000004B  }
0xaf: {  	_ =	swait.ge [sflag:s26], $0x1  }
0xb0: {  	[sflag:s26] =	ssyncadd.s32 $0xFFFFFFFF  }
0xb1: {  	_ =	strace $0x9000004B  }
0xb2: {  	_ =	sfence  }
0xb3: {  	s28 =	sld [smem:$0x0];
	_ =	sdelay $0x1  }
0xb4: {  	s29 =	srdreg.scid  }
0xb5: {  	s30 =	sshll.u32 s29, $0xD;
	s31 =	sshrl.u32 s29, $0x2  }
0xb6: {  	s1 =	sand.u32 $0x1, s29;
	s2 =	sand.u32 $0x4000, s30;
	s0 =	sadd.s32 s31, s28  }
0xb7: {  	s1 =	sor.u32 s2, s1;
	s0 =	sshll.u32 s0, $0x11  }
0xb8: {  	s0 =	sor.u32 s0, s1  }
0xb9: {  	s0 =	sadd.s32 $0x8F2B, s0  }
0xba: {  	[sflag:s0] =	ssyncadd.remote.s32 $0x1  }
0xbb: {  	_ =	sfence.sel $0xFFFF  }
0xbc: {  	[dreg:$0x0] =	wrdreg $0xFFFFFFFF;
	(pc) =	sbr.abs _section_cstart, $3  }
0xbd: {  	[dreg:$0x1] =	wrdreg $0xFFFFFFFF  }
0xbe: {  	_ =	task.clear_ibuf [dreg:s4], $0x2FFFF;
	_ =	strace $0x9FFFFFFF  }
0xbf: {  	(tm) =	ssettm $0x7FFFFFFF  }
tec
execute0_lowered:
.L_overlay_start_1:
0x0: {  	(tag) =	ssettag $0x1  }
0x1: {  	s4 =	rddreg [dreg:$0x0]  }
0x2: {  	s0 =	rddreg [dreg:$0x1];
	_ =	strace $0x8000004A;
	s3 =	stileid.u32  }
0x3: {  	s6 =	simm.s32 $0x3E;
	s1 =	sadd.s32 $0x629000, s4;
	p0 =	sne.s32 s3, $0x0  }
0x4: {  	[sflag:s6] =	ssyncpa.u1 $0x0;
	s31 =	smin.u32 s3, $0x4;
	p1 =	slt.u32 s3, $0x4  }
0x5: {  	s3 =	simm.s32 $0x10;
	s5 =	simm.s32 @!p0 $0x1C3E;
	s2 =	simm.s32 @!p0 $0x0  }
0x6: {  	[spmem:s2], [sflag:s5] =	dma.local @!p0 [hbm:s1], $0x200  }
0x7: {  	s3 =	simm.s32 @!p1 $0x0;
	s5 =	sshll.u32 s31, $0x4  }
0x8: {  	s3 =	sadd.s32 s3, s5  }
0x9: {  	s9 =	smin.u32 s3, $0x40  }
0xa: {  	s8 =	ssub.s32 s9, s5  }
0xb: {  	p1 =	sgt.s32 s8, $0x0  }
0xc: {  	s7 =	simm.s32 @!p0 $0x3E;
	s8 =	simm.s32 @!p1 $0x0  }
0xd: {  	_ =	swait.ge @!p0 [sflag:s7], $0x200;
	s10 =	sshrl.u32 s8, $0x4  }
0xe: {  	[sflag:s7] =	ssyncset.done @!p0 $0x0;
	s11 =	sadd.s32 $0x1, s10  }
0xf: {  	p3 =	por $0x0, $0x0;
	[sflag:s7] =	ssyncadd.s32 @!p0 $0xFFFFFE00;
	p1 =	sne.s32 s11, $0x1  }
.Ltmp0:
0x10: {  	s3 =	simm.s32 $0x1;
	[bflag:$0x0] =	sbarrier.arrive $0xFFFF;
	(pc) =	sbr.rel @!p1 .LBB2_1-.Ltmp0, $4  }
0x11: {  	s7 =	sadd.s32 $0x628C00, s4;
	[sflag:s6] =	ssyncpa.u1 $0x1;
	s6 =	sadd.s32 $0x628E00, s4  }
0x12: {  	s4 =	simm.s32 $0x2;
	s8 =	simm.s32 $0x0;
	p2 =	sle.u32 s10, $0x0  }
0x13: {  	[sflag:s3] =	ssyncpa.u1 $0x0;
	(ifvalue) =	ssetifvalue $0x1000;
	s12 =	sxor.u32 @!p2 $0xFFFFFFFF, s8  }
0x14: {  	[sflag:s4] =	ssyncpa.u1 $0x0;
	s15 =	sshrl.u32 @!p2 s5, $0x3;
	s16 =	sand.u32 @!p2 $0x10, s12  }
0x15: {  	s12 =	sadd.s32 @!p2 s7, s15  }
0x16: {  	s13 =	sor.u32 @!p2 $0x100, s16;
	s14 =	sand.u32 @!p2 $0x7, s5;
	p1 =	por $0x1, $0x1  }
0x17: {  	[tilespmem:s13], [sflag:$0x2] =	stream.linear.gather @!p2 [hbm4b:s12+s14], $0x10, $0x38;
	[tilespmem:$0x140] =	vst v63  }
0x18: {  	s15 =	sadd.s32 @!p2 s6, s15;
	s12 =	sor.u32 @!p2 $0x120, s16;
	s13 =	simm.s32 @!p1 $0x2  }
0x19: {  	[tilespmem:s12], [sflag:$0x2] =	stream.linear.gather @!p2 [hbm4b:s15+s14], $0x10, $0x38;
	[tilespmem:$0x140] =	vst v63  }
0x1a: {  	_ =	swait.ge @!p1 [sflag:s13], $0x20  }
0x1b: {  	s8 =	sand.u32 @!p1 $0x10, s8;
	[sflag:s13] =	ssyncset.done @!p1 $0x0  }
0x1c: {  	s12 =	sor.u32 @!p1 $0x100, s8;
	[sflag:s13] =	ssyncadd.s32 @!p1 $0xFFFFFFE0  }
0x1d: {  	v0 =	vld.msk @!p1 [tilespmem:s12+$0x0 ss:$0x1], $0xffff;
	_ =	sdelay $0x3  }
0x1e: {  	p4 =	sne.s32 s11, $0x2  }
.Ltmp1:
0x1f: {  	s18 =	simm.s32 @!p1 $0x0;
	s17 =	simm.s32 @!p1 $0x1;
	v0 =	vmin.u32 @!p1 v0, $0x1000;
	(pc) =	sbr.rel @!p4 .LBB2_3-.Ltmp1, $4  }
0x20: {  	s15 =	sadd.s32 $0x10, s5;
	p2 =	sle.u32 s10, $0x1;
	s14 =	smov.u32 s5  }
0x21: {  	p3 =	slt.s32 s15, s9;
	s13 =	sor.u32 @!p1 $0x120, s8;
	s8 =	simm.s32 $0x10  }
0x22: {  	s14 =	smov.u32 @p3 s15;
	p3 =	por $0x1, $0x1;
	s16 =	sxor.u32 @!p2 $0xFFFFFFFF, s8  }
0x23: {  	vm0 =	vmmov @!p1 $0xffff;
	s15 =	sshrl.u32 @!p2 s14, $0x3;
	s12 =	simm.s32 $0x2;
	s16 =	sand.u32 @!p2 $0x10, s16  }
.LBB2_4:
0x24: {  	[spmem:s18] =	stream.indirect_vreg.scatter.add.s32 @!p1 [tilespmem:s13], [sflag:$0x1], $0x1, v0, vm0, $0x4038;
	[tilespmem:$0x140] =	vst v63  }
0x25: {  	s13 =	sadd.s32 @!p2 s7, s15;
	s18 =	sor.u32 @!p2 $0x100, s16;
	_ =	swait.ge @!p1 [sflag:s17], $0x10  }
0x26: {  	s19 =	smov.u32 s12;
	s12 =	sadd.s32 $0x1, s12;
	[sflag:s17] =	ssyncset.done @!p1 $0x0  }
0x27: {  	s20 =	sand.u32 @!p2 $0x7, s14;
	[sflag:s17] =	ssyncadd.s32 @!p1 $0xFFFFFFF0;
	p1 =	seq.s32 s8, $0x0  }
0x28: {  	[tilespmem:s18], [sflag:$0x2] =	stream.linear.gather @!p2 [hbm4b:s13+s20], $0x10, $0x38;
	[tilespmem:$0x140] =	vst v63  }
0x29: {  	s16 =	sor.u32 @!p2 $0x120, s16;
	s17 =	simm.s32 @!p1 $0x2;
	s13 =	sand.u32 @!p1 $0x10, s8  }
0x2a: {  	s15 =	sadd.s32 @!p2 s6, s15;
	s18 =	sor.u32 @!p1 $0x100, s13;
	s13 =	sor.u32 @!p1 $0x120, s13  }
0x2b: {  	[tilespmem:s16], [sflag:$0x2] =	stream.linear.gather @!p2 [hbm4b:s15+s20], $0x10, $0x38;
	[tilespmem:$0x140] =	vst v63  }
0x2c: {  	p4 =	sne.s32 s11, s12;
	_ =	swait.ge @!p1 [sflag:s17], $0x20  }
0x2d: {  	[sflag:s17] =	ssyncset.done @!p1 $0x0  }
0x2e: {  	[sflag:s17] =	ssyncadd.s32 @!p1 $0xFFFFFFE0  }
0x2f: {  	v0 =	vld.msk @!p1 [tilespmem:s18+$0x0 ss:$0x1], $0xffff;
	_ =	sdelay $0x5  }
.Ltmp2:
0x30: {  	s8 =	sadd.s32 $0x10, s8;
	v0 =	vmin.u32 @!p1 v0, $0x1000;
	(pc) =	sbr.rel @p4 .LBB2_4-.Ltmp2, $4  }
0x31: {  	vm0 =	vmmov @!p1 $0xffff;
	s15 =	sadd.s32 $0x10, s14;
	p2 =	sge.u32 s19, s10;
	s18 =	simm.s32 @!p1 $0x0  }
0x32: {  	s14 =	smov.u32 s5;
	p5 =	slt.s32 s15, s9;
	s17 =	simm.s32 @!p1 $0x1  }
0x33: {  	s16 =	sxor.u32 @!p2 $0xFFFFFFFF, s8;
	s14 =	smov.u32 @p5 s15  }
0x34: {  	s16 =	sand.u32 @!p2 $0x10, s16;
	s15 =	sshrl.u32 @!p2 s14, $0x3  }
0x35: {  	s5 =	smov.u32 s14  }
.LBB2_6:
0x36: {  	_ =	sdelay $0x2  }
0x37: {  	p3 =	por p1, !p3  }
0x38: {  	[spmem:s18] =	stream.indirect_vreg.scatter.add.s32 @!p3 [tilespmem:s13], [sflag:$0x1], $0x1, v0, vm0, $0x4038;
	[tilespmem:$0x140] =	vst v63  }
0x39: {  	_ =	swait.ge @!p3 [sflag:s17], $0x10  }
0x3a: {  	s7 =	sadd.s32 @!p2 s7, s15;
	s9 =	sor.u32 @!p2 $0x100, s16;
	[sflag:s17] =	ssyncset.done @!p3 $0x0  }
0x3b: {  	s5 =	sand.u32 @!p2 $0x7, s5;
	p1 =	seq.s32 s8, $0x0;
	[sflag:s17] =	ssyncadd.s32 @!p3 $0xFFFFFFF0  }
0x3c: {  	[tilespmem:s9], [sflag:$0x2] =	stream.linear.gather @!p2 [hbm4b:s7+s5], $0x10, $0x38;
	[tilespmem:$0x140] =	vst v63  }
0x3d: {  	s6 =	sadd.s32 @!p2 s6, s15;
	s7 =	sor.u32 @!p2 $0x120, s16;
	s9 =	simm.s32 @!p1 $0x2  }
0x3e: {  	[tilespmem:s7], [sflag:$0x2] =	stream.linear.gather @!p2 [hbm4b:s6+s5], $0x10, $0x38;
	[tilespmem:$0x140] =	vst v63  }
0x3f: {  	_ =	swait.ge @!p1 [sflag:s9], $0x20  }
0x40: {  	s5 =	sand.u32 @!p1 $0x10, s8;
	[sflag:s9] =	ssyncset.done @!p1 $0x0  }
0x41: {  	s6 =	sor.u32 @!p1 $0x100, s5;
	[sflag:s9] =	ssyncadd.s32 @!p1 $0xFFFFFFE0  }
0x42: {  	v0 =	vld.msk @!p1 [tilespmem:s6+$0x0 ss:$0x1], $0xffff;
	_ =	sdelay $0x4  }
0x43: {  	v0 =	vmin.u32 @!p1 v0, $0x1000;
	_ =	sdelay $0x3  }
0x44: {  	vm0 =	vmmov @!p1 $0xffff;
	s7 =	simm.s32 @!p1 $0x1;
	s5 =	sor.u32 @!p1 $0x120, s5;
	s6 =	simm.s32 @!p1 $0x0  }
0x45: {  	[spmem:s6] =	stream.indirect_vreg.scatter.add.s32 @!p1 [tilespmem:s5], [sflag:$0x1], $0x1, v0, vm0, $0x4038;
	[tilespmem:$0x140] =	vst v63  }
0x46: {  	_ =	swait.ge @!p1 [sflag:s7], $0x10  }
0x47: {  	[sflag:s7] =	ssyncset.done @!p1 $0x0  }
0x48: {  	[sflag:s7] =	ssyncadd.s32 @!p1 $0xFFFFFFF0  }
0x49: {  	_ =	sfence.sel $0x180000  }
0x4a: {  	[bflag:$0x0] =	sbarrier.arrive $0xFFFF  }
0x4b: {  	[sflag:s4] =	ssyncpa.u1 $0x1  }
0x4c: {  	[sflag:s3] =	ssyncpa.u1 $0x1  }
0x4d: {  	_ =	sfence.stream.spmem  }
0x4e: {  	s31 =	simm.s32 $0x3D;
	[bflag:$0x0] =	sbarrier.arrive $0xFFFF  }
0x4f: {  	s3 =	simm.s32 @p0 $0x3D;
	[sflag:s31] =	ssyncpa.u1 $0x0  }
0x50: {  	[sflag:s3] =	ssyncpa.u1 @p0 $0x1  }
0x51: {  	[bflag:$0x0] =	sbarrier.arrive @p0 $0xFFFF  }
0x52: {  	_ =	strace @p0 $0x9000004A  }
0x53: {  	s3 =	simm.s32 @!p0 $0x1C3D;
	[bflag:$0x2] =	sbarrier.arrive @p0 $0xFFFF  }
0x54: {  	[hbm:s1], [sflag:s3] =	dma.local @!p0 [spmem:s2], $0x200  }
0x55: {  	s1 =	simm.s32 @!p0 $0x3D  }
0x56: {  	_ =	swait.ge @!p0 [sflag:s1], $0x200  }
0x57: {  	[sflag:s1] =	ssyncset.done @!p0 $0x0  }
0x58: {  	[sflag:s1] =	ssyncadd.s32 @!p0 $0xFFFFFE00  }
0x59: {  	[sflag:s1] =	ssyncpa.u1 @!p0 $0x1  }
0x5a: {  	[bflag:$0x0] =	sbarrier.arrive @!p0 $0xFFFF  }
0x5b: {  	_ =	strace @!p0 $0x9000004A  }
0x5c: {  	s0 =	sadd.s32 @!p0 $0x100000, s0;
	[bflag:$0x2] =	sbarrier.arrive @!p0 $0xFFFF  }
0x5d: {  	[sflag:s0] =	ssyncadd.tile.s32 @!p0 $0x1;
	_ =	shalt  }
.LBB2_1:
.Ltmp3:
0x5e: {  	(pc) =	sbr.rel .LBB2_6-.Ltmp3, $2  }
0x5f: {  	_ =	sdelay $0x2  }
0x60: {  	_ = 	snop  }
.LBB2_3:
.Ltmp4:
0x61: {  	(pc) =	sbr.rel .LBB2_6-.Ltmp4, $2  }
0x62: {  	_ =	sdelay $0x2  }
0x63: {  	s5 =	smov.u32 s14  }
.Lfunc_end2:
_tile_overlayer_lowered:
.L_overlay_start_2:
0x64: {  	(tag) =	ssettag $0x2  }
0x65: {  	s0 =	rddreg [dreg:$0x0];
	s2 =	stileid.u32  }
0x66: {  	s1 =	rddreg [dreg:$0x1];
	p0 =	sne.s32 s2, $0x0  }
0x67: {  	s3 =	rddreg [dreg:$0x2];
	[bflag:$0x3] =	sbarrier.arrive $0xFFFF;
	s2 =	simm.s32 @!p0 $0x1C01  }
0x68: {  	[timem:s3], [sflag:s2] =	dma.local @!p0 [hbm:s0], s1  }
0x69: {  	s0 =	simm.s32 @!p0 $0x1  }
0x6a: {  	_ =	swait.ge @!p0 [sflag:s0], s1  }
0x6b: {  	s1 =	ssub.s32 @!p0 $0x0, s1;
	[sflag:s0] =	ssyncset.done @!p0 $0x0  }
0x6c: {  	[sflag:s0] =	ssyncadd.s32 @!p0 s1  }
0x6d: {  	[bflag:$0x3] =	sbarrier.arrive $0xFFFF  }
0x6e: {  	_ =	shalt  }

</sc_bundles>
